<compile_context>
chip_gen: v7x
topology: tpu7x:2x2x1
jax: 0.10.2.dev20260603
libtpu: 0.0.44.dev20260713+nightly
codegen_flags: <defaults>
</compile_context>

<pallas_src>
import functools

import jax
import jax.numpy as jnp
from jax import lax
from jax.experimental import pallas as pl
from jax.experimental.pallas import tpu as pltpu
from jax.experimental.pallas import tpu_sc as plsc

GRID = 8
NB = 32.0
NCELLS = GRID * GRID
INV_CELL = 1.0 / (2.0 * NB / GRID)

NC, NS, L = 2, 16, 16
NW = NC * NS

def _lane_bcast(x, idx):
    dnums = lax.GatherDimensionNumbers(
        offset_dims=(), collapsed_slice_dims=(0,), start_index_map=(0,))
    return lax.gather(x, idx[:, None], dnums, slice_sizes=(1,),
                      mode=lax.GatherScatterMode.PROMISE_IN_BOUNDS)


NI = 8
CH = 128
GR = (NCELLS + 1) * 128


def _sc_bin_body(sx_hbm, sy_hbm, hid_hbm, out_hbm, sxv, syv, hbuf,
                 grids, *, a, h, aw, ni):
    wid = lax.axis_index("s") * NC + lax.axis_index("c")
    pltpu.sync_copy(sx_hbm, sxv)
    pltpu.sync_copy(sy_hbm, syv)
    hiota = lax.iota(jnp.int32, L)
    nch = a // CH
    npg = CH // L

    def ib_body(ib, _):
        def zero_body(k, _):
            grids[pl.ds(k * L, L)] = jnp.zeros((L,), jnp.float32)
            return 0
        lax.fori_loop(0, ni * GR // L, zero_body, 0)

        i_base = wid * aw + ib * ni

        def ch_body(ch, _):
            pltpu.sync_copy(hid_hbm.at[pl.ds(ch * CH, CH), :], hbuf)

            def il_body(il, _):
                i = i_base + il
                lane = hiota * 0 + (i % L)
                xg = sxv[pl.ds((i // L) * L, L)]
                yg = syv[pl.ds((i // L) * L, L)]
                xi = _lane_bcast(xg, lane)
                yi = _lane_bcast(yg, lane)
                gbase = hiota + il * GR

                def jg_body(jg, _):
                    j0 = ch * CH + jg * L
                    xj = sxv[pl.ds(j0, L)]
                    yj = syv[pl.ds(j0, L)]
                    rx = xj - xi
                    ry = yj - yi
                    col = ((rx + NB) * INV_CELL).astype(jnp.int32)
                    row = ((ry + NB) * INV_CELL).astype(jnp.int32)
                    ok = (jnp.abs(rx) < NB) & (jnp.abs(ry) < NB)
                    ok = ok & ((hiota + j0) != i)
                    cell = (row << 3) + col
                    cell = jnp.where(ok, cell, NCELLS)
                    cell128 = cell << 7

                    @plsc.parallel_loop(0, L, 1, unroll=4)
                    def p_body(p):
                        cb = _lane_bcast(cell128, hiota * 0 + p)
                        idx0 = cb + gbase
                        jrow = jg * L + p
                        for s in range(h // L):
                            val = hbuf[jrow, pl.ds(s * L, L)]
                            plsc.addupdate_scatter(grids, [idx0 + s * L], val)
                    return 0
                lax.fori_loop(0, npg, jg_body, 0)
                return 0
            lax.fori_loop(0, ni, il_body, 0)
            return 0
        lax.fori_loop(0, nch, ch_body, 0)

        def drain_body(il, _):
            pltpu.sync_copy(grids.at[pl.ds(il * GR, NCELLS * h)],
                            out_hbm.at[i_base + il])
            return 0
        lax.fori_loop(0, ni, drain_body, 0)
        return 0
    lax.fori_loop(0, aw // ni, ib_body, 0)


def _sc_bin(sx, sy, hidden, n_sc):
    a, h = hidden.shape
    aw = n_sc // NW
    mesh = plsc.VectorSubcoreMesh(core_axis_name="c", subcore_axis_name="s")
    return pl.kernel(
        functools.partial(_sc_bin_body, a=a, h=h, aw=aw, ni=min(NI, aw)),
        out_type=jax.ShapeDtypeStruct((n_sc, NCELLS * h), jnp.float32),
        mesh=mesh,
        compiler_params=pltpu.CompilerParams(needs_layout_passes=False),
        scratch_types=[
            pltpu.VMEM((a,), jnp.float32),
            pltpu.VMEM((a,), jnp.float32),
            pltpu.VMEM((CH, h), jnp.float32),
            pltpu.VMEM((NI * GR,), jnp.float32),
        ],
    )(sx, sy, hidden)


def _tc_bin_body(pxr, pyr, maskr, pxc, pyc, maskc, hid, wt, b2, out_ref,
                 scratch, *, i_off, bi, a, h):
    i0 = i_off + pl.program_id(0) * bi
    px_i = pxc[pl.ds(i0, bi), :]
    py_i = pyc[pl.ds(i0, bi), :]
    m_i = maskc[pl.ds(i0, bi), :]

    relx = pxr[...] - px_i
    rely = pyr[...] - py_i

    colf = jnp.clip(jnp.floor((relx + NB) * INV_CELL), 0.0, GRID - 1.0)
    rowf = jnp.clip(jnp.floor((rely + NB) * INV_CELL), 0.0, GRID - 1.0)
    within = (jnp.abs(relx) < NB) & (jnp.abs(rely) < NB)
    jr = jax.lax.broadcasted_iota(jnp.int32, (bi, a), 1)
    ir = jax.lax.broadcasted_iota(jnp.int32, (bi, a), 0) + i0
    valid = within & (jr != ir)
    vm = jnp.where(valid, 1.0, 0.0) * maskr[...]

    row_oh = [(jnp.where(rowf == float(r), 1.0, 0.0) * vm).astype(jnp.bfloat16)
              for r in range(GRID)]
    col_oh = [jnp.where(colf == float(c), 1.0, 0.0).astype(jnp.bfloat16)
              for c in range(GRID)]

    hid_b = hid[...]
    for cell in range(NCELLS):
        r, c = cell // GRID, cell % GRID
        oh = row_oh[r] * col_oh[c]
        grid_c = jnp.dot(oh, hid_b, preferred_element_type=jnp.float32)
        scratch[:, cell * h:(cell + 1) * h] = grid_c.astype(jnp.bfloat16)

    acc = jnp.dot(scratch[...], wt[...], preferred_element_type=jnp.float32)
    out_ref[...] = (acc + b2[...]) * m_i


def _tc_bin(pos, mask_f, hid_b, wt, b2, i_off, n_rows):
    a, h = hid_b.shape
    bi = 256 if n_rows % 256 == 0 else 128
    pxr = pos[:, 0].reshape(1, a)
    pyr = pos[:, 1].reshape(1, a)
    maskr = mask_f.reshape(1, a)
    pxc = pos[:, 0].reshape(a, 1)
    pyc = pos[:, 1].reshape(a, 1)
    maskc = mask_f.reshape(a, 1)

    full = lambda s: pl.BlockSpec(s, lambda i: tuple(0 for _ in s))
    return pl.pallas_call(
        functools.partial(_tc_bin_body, i_off=i_off, bi=bi, a=a, h=h),
        grid=(n_rows // bi,),
        in_specs=[
            full((1, a)), full((1, a)), full((1, a)),
            full((a, 1)), full((a, 1)), full((a, 1)),
            full((a, h)),
            full((NCELLS * h, h)),
            full((1, h)),
        ],
        out_specs=pl.BlockSpec((bi, h), lambda i: (i, 0)),
        out_shape=jax.ShapeDtypeStruct((n_rows, h), jnp.float32),
        scratch_shapes=[pltpu.VMEM((bi, NCELLS * h), jnp.bfloat16)],
    )(pxr, pyr, maskr, pxc, pyc, maskc, hid_b, wt, b2)


def _mm_body(g_ref, wt_ref, b2_ref, mc_ref, out_ref):
    gb = g_ref[...].astype(jnp.bfloat16)
    acc = jnp.dot(gb, wt_ref[...], preferred_element_type=jnp.float32)
    out_ref[...] = (acc + b2_ref[...]) * mc_ref[...]


def _tc_matmul(grids, wt, b2, maskc):
    a = grids.shape[0]
    h = wt.shape[1]
    bi = 256 if a % 256 == 0 else a
    return pl.pallas_call(
        _mm_body,
        grid=(a // bi,),
        in_specs=[
            pl.BlockSpec((bi, NCELLS * h), lambda i: (i, 0)),
            pl.BlockSpec((NCELLS * h, h), lambda i: (0, 0)),
            pl.BlockSpec((1, h), lambda i: (0, 0)),
            pl.BlockSpec((bi, 1), lambda i: (i, 0)),
        ],
        out_specs=pl.BlockSpec((bi, h), lambda i: (i, 0)),
        out_shape=jax.ShapeDtypeStruct((a, h), jnp.float32),
    )(grids, wt, b2, maskc)


def kernel(hidden, pos, mask, W, b):
    a, h = hidden.shape
    mask_f = mask.astype(jnp.float32)
    wt = W.T.astype(jnp.bfloat16)
    b2 = b.reshape(1, h)
    hid_b = hidden.astype(jnp.bfloat16)
    s = 128 if (a % 256 == 0 and a >= 512) else 0
    big = jnp.float32(1e30)
    sx = jnp.where(mask, pos[:, 0], big)
    sy = jnp.where(mask, pos[:, 1], big)
    out_tc = _tc_bin(pos, mask_f, hid_b, wt, b2, s, a - s)
    if s == 0:
        return out_tc
    grids = _sc_bin(sx, sy, hidden, s)
    maskc = mask_f[:s].reshape(s, 1)
    out_sc = _tc_matmul(grids, wt, b2, maskc)
    return jnp.concatenate([out_sc, out_tc], axis=0)

# --- scband reference (transcript-rebuilt; emitter-appended) ---
"""Pipeline reference for scband-social-pooling-87677462380869 (READ-ONLY COPY).

The authoritative reference and input builder live on the scoring server;
editing this copy changes nothing except your own understanding.
"""

import jax, jax.numpy as jnp
import numpy as np

A = 2048
HIDDEN_DIM = 128
GRID = 8
NB = 32.0


def setup_inputs(seed: int = 0) -> dict:
    key = jax.random.key(seed)
    k1, k2, k3, k4 = jax.random.split(key, 4)
    hidden = jax.random.normal(k1, (A, HIDDEN_DIM), dtype=jnp.float32)
    pos = jax.random.normal(k2, (A, 2), dtype=jnp.float32)
    mask = jnp.ones((A,), dtype=bool)
    fan_in = GRID * GRID * HIDDEN_DIM
    bound = 1.0 / np.sqrt(fan_in)
    W = jax.random.uniform(k3, (HIDDEN_DIM, fan_in), minval=-bound, maxval=bound, dtype=jnp.float32)
    b = jax.random.uniform(k4, (HIDDEN_DIM,), minval=-bound, maxval=bound, dtype=jnp.float32)
    return {"hidden": hidden, "pos": pos, "mask": mask, "W": W, "b": b}


def _forward(hidden, pos, mask, W, b):
    Aa = hidden.shape[0]
    G = GRID
    N = NB
    H = hidden.shape[1]
    cell = 2.0 * N / G

    def per_agent(i):
        rel = pos - pos[i]
        rx = rel[:, 0]
        ry = rel[:, 1]
        finite = ~(jnp.isnan(rx) | jnp.isnan(ry))
        within = (jnp.abs(rx) < N) & (jnp.abs(ry) < N)
        notself = jnp.arange(Aa) != i
        valid = mask & notself & finite & within
        col = jnp.clip(jnp.floor((rx + N) / cell).astype(jnp.int32), 0, G - 1)
        row = jnp.clip(jnp.floor((ry + N) / cell).astype(jnp.int32), 0, G - 1)
        idx = row * G + col
        contrib = jnp.where(valid[:, None], hidden, 0.0)
        grid = jax.ops.segment_sum(contrib, idx, num_segments=G * G).reshape(-1)
        out = grid @ W.T + b
        active = mask[i] & (~jnp.any(jnp.isnan(pos[i])))
        return jnp.where(active, out, jnp.zeros_like(out))

    return jax.lax.map(per_agent, jnp.arange(Aa))


def reference(hidden, pos, mask, W, b):
    return _forward(hidden, pos, mask, W, b)

if __name__ == "__main__":
    import jax
    _d = setup_inputs()
    print(jax.jit(kernel)(*tuple(_d.values())))

</pallas_src>

<mosaic_0001>
#map = affine_map<(d0, d1) -> (0)>
#map1 = affine_map<(d0, d1) -> (0, 0)>
module attributes {stable_mosaic.version = 14 : i64} {
  func.func @_sc_bin_body(%arg0: i32, %arg1: i32, %arg2: memref<2048xf32, #tpu.memory_space<hbm>>, %arg3: memref<2048xf32, #tpu.memory_space<hbm>>, %arg4: memref<2048x128xf32, #tpu.memory_space<hbm>>, %arg5: memref<128x8192xf32, #tpu.memory_space<hbm>>, %arg6: memref<2048xf32, #tpu.memory_space<vmem>>, %arg7: memref<2048xf32, #tpu.memory_space<vmem>>, %arg8: memref<128x128xf32, #tpu.memory_space<vmem>>, %arg9: memref<66560xf32, #tpu.memory_space<vmem>>) attributes {dimension_semantics = [#tpu.dimension_semantics<core_parallel>, #tpu.dimension_semantics<subcore_parallel>], iteration_bounds = array<i64: 2, 16>, scalar_prefetch = 0 : i64, scratch_operands = 4 : i64, tpu.core_type = #tpu.core_type<sc_vector_subcore>, window_params = [{transform_indices = #map}, {transform_indices = #map}, {transform_indices = #map1}, {transform_indices = #map1}]} {
    %mul3A = arith.constant 2 : i32
    %mul3A_0 = arith.muli %arg1, %mul3A : i32
    %add3A = arith.addi %mul3A_0, %arg0 : i32
    "tpu.region"() ({
      %run_scoped3A = tpu.sem_alloc : memref<!tpu.dma_semaphore, #tpu.memory_space<semaphore_mem>>
      tpu.enqueue_dma source(%arg2 : memref<2048xf32, #tpu.memory_space<hbm>>) target(%arg6 : memref<2048xf32, #tpu.memory_space<vmem>>) target_semaphore(%run_scoped3A : memref<!tpu.dma_semaphore, #tpu.memory_space<semaphore_mem>>)
      tpu.wait_dma2 semaphore(%run_scoped3A : memref<!tpu.dma_semaphore, #tpu.memory_space<semaphore_mem>>) src(%arg2 : memref<2048xf32, #tpu.memory_space<hbm>>) dst(%arg6 : memref<2048xf32, #tpu.memory_space<vmem>>)
      tpu.yield
    }) : () -> ()
    "tpu.region"() ({
      %run_scoped3A = tpu.sem_alloc : memref<!tpu.dma_semaphore, #tpu.memory_space<semaphore_mem>>
      tpu.enqueue_dma source(%arg3 : memref<2048xf32, #tpu.memory_space<hbm>>) target(%arg7 : memref<2048xf32, #tpu.memory_space<vmem>>) target_semaphore(%run_scoped3A : memref<!tpu.dma_semaphore, #tpu.memory_space<semaphore_mem>>)
      tpu.wait_dma2 semaphore(%run_scoped3A : memref<!tpu.dma_semaphore, #tpu.memory_space<semaphore_mem>>) src(%arg3 : memref<2048xf32, #tpu.memory_space<hbm>>) dst(%arg7 : memref<2048xf32, #tpu.memory_space<vmem>>)
      tpu.yield
    }) : () -> ()
    %iota3A = tpu.iota {dimensions = array<i32: 0>} : vector<16xi32>
    %scan3A = arith.constant 0 : i32
    %scan3A_1 = arith.constant 0 : i32
    %scan3A_2 = arith.constant 0 : i32
    %scan3A_3 = arith.constant 0 : i32
    %scan3A_4 = arith.constant 2080 : i32
    %scan3A_5 = arith.addi %scan3A_3, %scan3A_4 : i32
    %scan3A_6 = arith.constant 1 : i32
    %scan3A_7 = scf.for %scan3A_30 = %scan3A_3 to %scan3A_5 step %scan3A_6 iter_args(%scan3A_31 = %scan3A_2) -> (i32)  : i32 {
      %broadcast_in_dim3A = arith.constant 0.000000e+00 : f32
      %broadcast_in_dim3A_32 = vector.broadcast %broadcast_in_dim3A : f32 to vector<16xf32>
      %mul3A_33 = arith.constant 16 : i32
      %mul3A_34 = arith.muli %scan3A_30, %mul3A_33 : i32
      %swap3A = arith.index_cast %mul3A_34 : i32 to index
      %swap3A_35 = tpu.vector_load %arg9[%swap3A] {strides = array<i32>} : memref<66560xf32, #tpu.memory_space<vmem>>, vector<16xf32>,
      tpu.vector_store %arg9[%swap3A], %broadcast_in_dim3A_32 {strides = array<i32>} : memref<66560xf32, #tpu.memory_space<vmem>>, vector<16xf32>,
      %scan3A_36 = arith.constant 0 : i32
      scf.yield %scan3A_36 : i32
    }
    %scan3A_8 = arith.constant 2080 : i32
    %mul3A_9 = arith.constant 4 : i32
    %mul3A_10 = arith.muli %add3A, %mul3A_9 : i32
    %mul3A_11 = arith.constant 4 : i32
    %mul3A_12 = arith.muli %scan3A_1, %mul3A_11 : i32
    %add3A_13 = arith.addi %mul3A_10, %mul3A_12 : i32
    %scan3A_14 = arith.constant 0 : i32
    %scan3A_15 = arith.constant 0 : i32
    %scan3A_16 = arith.constant 16 : i32
    %scan3A_17 = arith.addi %scan3A_15, %scan3A_16 : i32
    %scan3A_18 = arith.constant 1 : i32
    %scan3A_19 = scf.for %scan3A_30 = %scan3A_15 to %scan3A_17 step %scan3A_18 iter_args(%scan3A_31 = %scan3A_14) -> (i32)  : i32 {
      %mul3A_32 = arith.constant 128 : i32
      %mul3A_33 = arith.muli %scan3A_30, %mul3A_32 : i32
      "tpu.region"() ({
        %run_scoped3A = tpu.sem_alloc : memref<!tpu.dma_semaphore, #tpu.memory_space<semaphore_mem>>
        %dma_start3A = arith.constant 0 : i32
        %dma_start3A_42 = tpu.memref_slice %arg4[%mul3A_33, %dma_start3A] : memref<2048x128xf32, #tpu.memory_space<hbm>> -> memref<128x128xf32, #tpu.memory_space<hbm>>
        %dma_start3A_43 = arith.constant 0 : i32
        %dma_start3A_44 = tpu.memref_slice %arg4[%mul3A_33, %dma_start3A_43] : memref<2048x128xf32, #tpu.memory_space<hbm>> -> memref<128x128xf32, #tpu.memory_space<hbm>>
        tpu.enqueue_dma source(%dma_start3A_44 : memref<128x128xf32, #tpu.memory_space<hbm>>) target(%arg8 : memref<128x128xf32, #tpu.memory_space<vmem>>) target_semaphore(%run_scoped3A : memref<!tpu.dma_semaphore, #tpu.memory_space<semaphore_mem>>)
        %dma_wait3A = arith.constant 0 : i32
        %dma_wait3A_45 = tpu.memref_slice %arg4[%mul3A_33, %dma_wait3A] : memref<2048x128xf32, #tpu.memory_space<hbm>> -> memref<128x128xf32, #tpu.memory_space<hbm>>
        %dma_wait3A_46 = arith.constant 0 : i32
        %dma_wait3A_47 = tpu.memref_slice %arg4[%mul3A_33, %dma_wait3A_46] : memref<2048x128xf32, #tpu.memory_space<hbm>> -> memref<128x128xf32, #tpu.memory_space<hbm>>
        tpu.wait_dma2 semaphore(%run_scoped3A : memref<!tpu.dma_semaphore, #tpu.memory_space<semaphore_mem>>) src(%dma_wait3A_47 : memref<128x128xf32, #tpu.memory_space<hbm>>) dst(%arg8 : memref<128x128xf32, #tpu.memory_space<vmem>>)
        tpu.yield
      }) : () -> ()
      %scan3A_34 = arith.constant 0 : i32
      %scan3A_35 = arith.constant 0 : i32
      %scan3A_36 = arith.constant 4 : i32
      %scan3A_37 = arith.addi %scan3A_35, %scan3A_36 : i32
      %scan3A_38 = arith.constant 1 : i32
      %scan3A_39 = scf.for %scan3A_42 = %scan3A_35 to %scan3A_37 step %scan3A_38 iter_args(%scan3A_43 = %scan3A_34) -> (i32)  : i32 {
        %add3A_44 = arith.addi %add3A_13, %scan3A_42 : i32
        %mul3A_45 = arith.constant 0 : i32
        %mul3A_46 = vector.broadcast %mul3A_45 : i32 to vector<16xi32>
        %mul3A_47 = arith.muli %iota3A, %mul3A_46 : vector<16xi32>
        %jit3A = arith.constant 16 : i32
        %eq3A = arith.constant 0 : i32
        %eq3A_48 = arith.cmpi eq, %jit3A, %eq3A : i32
        %jit3A_49 = arith.constant 1 : i32
        %select_n3A = arith.select %eq3A_48, %jit3A_49, %jit3A : i32
        %rem3A = arith.remsi %add3A_44, %select_n3A : i32
        %ne3A = arith.constant 0 : i32
        %ne3A_50 = arith.cmpi ne, %rem3A, %ne3A : i32
        %lt3A = arith.constant 0 : i32
        %lt3A_51 = arith.cmpi slt, %rem3A, %lt3A : i32
        %lt3A_52 = arith.constant 0 : i32
        %lt3A_53 = arith.cmpi slt, %select_n3A, %lt3A_52 : i32
        %ne3A_54 = arith.xori %lt3A_51, %lt3A_53 : i1
        %and3A = arith.andi %ne3A_54, %ne3A_50 : i1
        %add3A_55 = arith.addi %rem3A, %select_n3A : i32
        %select_n3A_56 = arith.select %and3A, %add3A_55, %rem3A : i32
        %add3A_57 = vector.broadcast %select_n3A_56 : i32 to vector<16xi32>
        %add3A_58 = arith.addi %mul3A_47, %add3A_57 : vector<16xi32>
        %jit3A_59 = arith.constant 16 : i32
        %div3A = arith.divsi %add3A_44, %jit3A_59 : i32
        %sign3A = arith.constant 0 : i32
        %sign3A_60 = arith.cmpi sgt, %add3A_44, %sign3A : i32
        %sign3A_61 = arith.extui %sign3A_60 : i1 to i32
        %sign3A_62 = arith.constant 0 : i32
        %sign3A_63 = arith.cmpi slt, %add3A_44, %sign3A_62 : i32
        %sign3A_64 = arith.extui %sign3A_63 : i1 to i32
        %sign3A_65 = arith.subi %sign3A_61, %sign3A_64 : i32
        %sign3A_66 = arith.constant 0 : i32
        %sign3A_67 = arith.cmpi sgt, %jit3A_59, %sign3A_66 : i32
        %sign3A_68 = arith.extui %sign3A_67 : i1 to i32
        %sign3A_69 = arith.constant 0 : i32
        %sign3A_70 = arith.cmpi slt, %jit3A_59, %sign3A_69 : i32
        %sign3A_71 = arith.extui %sign3A_70 : i1 to i32
        %sign3A_72 = arith.subi %sign3A_68, %sign3A_71 : i32
        %ne3A_73 = arith.cmpi ne, %sign3A_65, %sign3A_72 : i32
        %rem3A_74 = arith.remsi %add3A_44, %jit3A_59 : i32
        %ne3A_75 = arith.constant 0 : i32
        %ne3A_76 = arith.cmpi ne, %rem3A_74, %ne3A_75 : i32
        %and3A_77 = arith.andi %ne3A_73, %ne3A_76 : i1
        %sub3A = arith.constant 1 : i32
        %sub3A_78 = arith.subi %div3A, %sub3A : i32
        %select_n3A_79 = arith.select %and3A_77, %sub3A_78, %div3A : i32
        %mul3A_80 = arith.constant 16 : i32
        %mul3A_81 = arith.muli %select_n3A_79, %mul3A_80 : i32
        %get3A = arith.index_cast %mul3A_81 : i32 to index
        %get3A_82 = tpu.vector_load %arg6[%get3A] {strides = array<i32>} : memref<2048xf32, #tpu.memory_space<vmem>>, vector<16xf32>,
        %jit3A_83 = arith.constant 16 : i32
        %div3A_84 = arith.divsi %add3A_44, %jit3A_83 : i32
        %sign3A_85 = arith.constant 0 : i32
        %sign3A_86 = arith.cmpi sgt, %add3A_44, %sign3A_85 : i32
        %sign3A_87 = arith.extui %sign3A_86 : i1 to i32
        %sign3A_88 = arith.constant 0 : i32
        %sign3A_89 = arith.cmpi slt, %add3A_44, %sign3A_88 : i32
        %sign3A_90 = arith.extui %sign3A_89 : i1 to i32
        %sign3A_91 = arith.subi %sign3A_87, %sign3A_90 : i32
        %sign3A_92 = arith.constant 0 : i32
        %sign3A_93 = arith.cmpi sgt, %jit3A_83, %sign3A_92 : i32
        %sign3A_94 = arith.extui %sign3A_93 : i1 to i32
        %sign3A_95 = arith.constant 0 : i32
        %sign3A_96 = arith.cmpi slt, %jit3A_83, %sign3A_95 : i32
        %sign3A_97 = arith.extui %sign3A_96 : i1 to i32
        %sign3A_98 = arith.subi %sign3A_94, %sign3A_97 : i32
        %ne3A_99 = arith.cmpi ne, %sign3A_91, %sign3A_98 : i32
        %rem3A_100 = arith.remsi %add3A_44, %jit3A_83 : i32
        %ne3A_101 = arith.constant 0 : i32
        %ne3A_102 = arith.cmpi ne, %rem3A_100, %ne3A_101 : i32
        %and3A_103 = arith.andi %ne3A_99, %ne3A_102 : i1
        %sub3A_104 = arith.constant 1 : i32
        %sub3A_105 = arith.subi %div3A_84, %sub3A_104 : i32
        %select_n3A_106 = arith.select %and3A_103, %sub3A_105, %div3A_84 : i32
        %mul3A_107 = arith.constant 16 : i32
        %mul3A_108 = arith.muli %select_n3A_106, %mul3A_107 : i32
        %get3A_109 = arith.index_cast %mul3A_108 : i32 to index
        %get3A_110 = tpu.vector_load %arg7[%get3A_109] {strides = array<i32>} : memref<2048xf32, #tpu.memory_space<vmem>>, vector<16xf32>,
        %broadcast_in_dim3A = vector.shape_cast %add3A_58 : vector<16xi32> to vector<16x1xi32>
        %gather3A = vector.shape_cast %broadcast_in_dim3A : vector<16x1xi32> to vector<16xi32>
        %gather3A_111 = tpu.dynamic_gather %get3A_82[%gather3A] in [0] : vector<16xf32>, vector<16xi32> -> vector<16xf32>
        %broadcast_in_dim3A_112 = vector.shape_cast %add3A_58 : vector<16xi32> to vector<16x1xi32>
        %gather3A_113 = vector.shape_cast %broadcast_in_dim3A_112 : vector<16x1xi32> to vector<16xi32>
        %gather3A_114 = tpu.dynamic_gather %get3A_110[%gather3A_113] in [0] : vector<16xf32>, vector<16xi32> -> vector<16xf32>
        %mul3A_115 = arith.constant 8320 : i32
        %mul3A_116 = arith.muli %scan3A_42, %mul3A_115 : i32
        %add3A_117 = vector.broadcast %mul3A_116 : i32 to vector<16xi32>
        %add3A_118 = arith.addi %iota3A, %add3A_117 : vector<16xi32>
        %scan3A_119 = arith.constant 0 : i32
        %scan3A_120 = arith.constant 0 : i32
        %scan3A_121 = arith.constant 8 : i32
        %scan3A_122 = arith.addi %scan3A_120, %scan3A_121 : i32
        %scan3A_123 = arith.constant 1 : i32
        %scan3A_124 = scf.for %scan3A_127 = %scan3A_120 to %scan3A_122 step %scan3A_123 iter_args(%scan3A_128 = %scan3A_119) -> (i32)  : i32 {
          %mul3A_129 = arith.constant 128 : i32
          %mul3A_130 = arith.muli %scan3A_30, %mul3A_129 : i32
          %mul3A_131 = arith.constant 16 : i32
          %mul3A_132 = arith.muli %scan3A_127, %mul3A_131 : i32
          %add3A_133 = arith.addi %mul3A_130, %mul3A_132 : i32
          %get3A_134 = arith.index_cast %add3A_133 : i32 to index
          %get3A_135 = tpu.vector_load %arg6[%get3A_134] {strides = array<i32>} : memref<2048xf32, #tpu.memory_space<vmem>>, vector<16xf32>,
          %get3A_136 = arith.index_cast %add3A_133 : i32 to index
          %get3A_137 = tpu.vector_load %arg7[%get3A_136] {strides = array<i32>} : memref<2048xf32, #tpu.memory_space<vmem>>, vector<16xf32>,
          %sub3A_138 = arith.subf %get3A_135, %gather3A_111 : vector<16xf32>
          %sub3A_139 = arith.subf %get3A_137, %gather3A_114 : vector<16xf32>
          %add3A_140 = arith.constant 3.200000e+01 : f32
          %add3A_141 = vector.broadcast %add3A_140 : f32 to vector<16xf32>
          %add3A_142 = arith.addf %sub3A_138, %add3A_141 : vector<16xf32>
          %mul3A_143 = arith.constant 1.250000e-01 : f32
          %mul3A_144 = vector.broadcast %mul3A_143 : f32 to vector<16xf32>
          %mul3A_145 = arith.mulf %add3A_142, %mul3A_144 : vector<16xf32>
          %convert_element_type3A = arith.fptosi %mul3A_145 : vector<16xf32> to vector<16xi32>
          %add3A_146 = arith.constant 3.200000e+01 : f32
          %add3A_147 = vector.broadcast %add3A_146 : f32 to vector<16xf32>
          %add3A_148 = arith.addf %sub3A_139, %add3A_147 : vector<16xf32>
          %mul3A_149 = arith.constant 1.250000e-01 : f32
          %mul3A_150 = vector.broadcast %mul3A_149 : f32 to vector<16xf32>
          %mul3A_151 = arith.mulf %add3A_148, %mul3A_150 : vector<16xf32>
          %convert_element_type3A_152 = arith.fptosi %mul3A_151 : vector<16xf32> to vector<16xi32>
          %abs3A = math.absf %sub3A_138 : vector<16xf32>
          %lt3A_153 = arith.constant 3.200000e+01 : f32
          %lt3A_154 = vector.broadcast %lt3A_153 : f32 to vector<16xf32>
          %lt3A_155 = arith.cmpf olt, %abs3A, %lt3A_154 : vector<16xf32>
          %abs3A_156 = math.absf %sub3A_139 : vector<16xf32>
          %lt3A_157 = arith.constant 3.200000e+01 : f32
          %lt3A_158 = vector.broadcast %lt3A_157 : f32 to vector<16xf32>
          %lt3A_159 = arith.cmpf olt, %abs3A_156, %lt3A_158 : vector<16xf32>
          %and3A_160 = arith.andi %lt3A_155, %lt3A_159 : vector<16xi1>
          %add3A_161 = vector.broadcast %add3A_133 : i32 to vector<16xi32>
          %add3A_162 = arith.addi %iota3A, %add3A_161 : vector<16xi32>
          %ne3A_163 = vector.broadcast %add3A_44 : i32 to vector<16xi32>
          %ne3A_164 = arith.cmpi ne, %add3A_162, %ne3A_163 : vector<16xi32>
          %and3A_165 = arith.andi %and3A_160, %ne3A_164 : vector<16xi1>
          %shift_left3A = arith.constant 3 : i32
          %shift_left3A_166 = vector.broadcast %shift_left3A : i32 to vector<16xi32>
          %shift_left3A_167 = arith.shli %convert_element_type3A_152, %shift_left3A_166 : vector<16xi32>
          %add3A_168 = arith.addi %shift_left3A_167, %convert_element_type3A : vector<16xi32>
          %jit3A_169 = arith.constant 64 : i32
          %broadcast_in_dim3A_170 = vector.broadcast %jit3A_169 : i32 to vector<16xi32>
          %select_n3A_171 = arith.select %and3A_165, %add3A_168, %broadcast_in_dim3A_170 : vector<16xi1>, vector<16xi32>
          %shift_left3A_172 = arith.constant 7 : i32
          %shift_left3A_173 = vector.broadcast %shift_left3A_172 : i32 to vector<16xi32>
          %shift_left3A_174 = arith.shli %select_n3A_171, %shift_left3A_173 : vector<16xi32>
          %parallel_loop3A = arith.constant 0 : i32
          %parallel_loop3A_175 = arith.constant 16 : i32
          %parallel_loop3A_176 = arith.constant 1 : i32
          scf.for %parallel_loop3A_178 = %parallel_loop3A to %parallel_loop3A_175 step %parallel_loop3A_176  : i32 {
            %parallel_loop3A_179 = arith.constant 0 : i32
            %parallel_loop3A_180 = vector.broadcast %parallel_loop3A_179 : i32 to vector<16xi32>
            %parallel_loop3A_181 = arith.muli %iota3A, %parallel_loop3A_180 : vector<16xi32>
            %parallel_loop3A_182 = vector.broadcast %parallel_loop3A_178 : i32 to vector<16xi32>
            %parallel_loop3A_183 = arith.addi %parallel_loop3A_181, %parallel_loop3A_182 : vector<16xi32>
            %parallel_loop3A_184 = vector.shape_cast %parallel_loop3A_183 : vector<16xi32> to vector<16x1xi32>
            %parallel_loop3A_185 = vector.shape_cast %parallel_loop3A_184 : vector<16x1xi32> to vector<16xi32>
            %parallel_loop3A_186 = tpu.dynamic_gather %shift_left3A_174[%parallel_loop3A_185] in [0] : vector<16xi32>, vector<16xi32> -> vector<16xi32>
            %parallel_loop3A_187 = arith.addi %parallel_loop3A_186, %add3A_118 : vector<16xi32>
            %parallel_loop3A_188 = arith.constant 16 : i32
            %parallel_loop3A_189 = arith.muli %scan3A_127, %parallel_loop3A_188 : i32
            %parallel_loop3A_190 = arith.addi %parallel_loop3A_189, %parallel_loop3A_178 : i32
            %parallel_loop3A_191 = arith.index_cast %parallel_loop3A_190 : i32 to index
            %parallel_loop3A_192 = arith.constant 0 : index
            %parallel_loop3A_193 = tpu.vector_load %arg8[%parallel_loop3A_191, %parallel_loop3A_192] {strides = array<i32>} : memref<128x128xf32, #tpu.memory_space<vmem>>, vector<16xf32>,
            %parallel_loop3A_194 = arith.constant 0 : i32
            %parallel_loop3A_195 = vector.broadcast %parallel_loop3A_194 : i32 to vector<16xi32>
            %parallel_loop3A_196 = arith.addi %parallel_loop3A_187, %parallel_loop3A_195 : vector<16xi32>
            tpu.vector_store_idx %arg9[%parallel_loop3A_196], %parallel_loop3A_193 {add = true} : memref<66560xf32, #tpu.memory_space<vmem>>[vector<16xi32>], vector<16xf32>,
            %parallel_loop3A_197 = arith.index_cast %parallel_loop3A_190 : i32 to index
            %parallel_loop3A_198 = arith.constant 16 : index
            %parallel_loop3A_199 = tpu.vector_load %arg8[%parallel_loop3A_197, %parallel_loop3A_198] {strides = array<i32>} : memref<128x128xf32, #tpu.memory_space<vmem>>, vector<16xf32>,
            %parallel_loop3A_200 = arith.constant 16 : i32
            %parallel_loop3A_201 = vector.broadcast %parallel_loop3A_200 : i32 to vector<16xi32>
            %parallel_loop3A_202 = arith.addi %parallel_loop3A_187, %parallel_loop3A_201 : vector<16xi32>
            tpu.vector_store_idx %arg9[%parallel_loop3A_202], %parallel_loop3A_199 {add = true} : memref<66560xf32, #tpu.memory_space<vmem>>[vector<16xi32>], vector<16xf32>,
            %parallel_loop3A_203 = arith.index_cast %parallel_loop3A_190 : i32 to index
            %parallel_loop3A_204 = arith.constant 32 : index
            %parallel_loop3A_205 = tpu.vector_load %arg8[%parallel_loop3A_203, %parallel_loop3A_204] {strides = array<i32>} : memref<128x128xf32, #tpu.memory_space<vmem>>, vector<16xf32>,
            %parallel_loop3A_206 = arith.constant 32 : i32
            %parallel_loop3A_207 = vector.broadcast %parallel_loop3A_206 : i32 to vector<16xi32>
            %parallel_loop3A_208 = arith.addi %parallel_loop3A_187, %parallel_loop3A_207 : vector<16xi32>
            tpu.vector_store_idx %arg9[%parallel_loop3A_208], %parallel_loop3A_205 {add = true} : memref<66560xf32, #tpu.memory_space<vmem>>[vector<16xi32>], vector<16xf32>,
            %parallel_loop3A_209 = arith.index_cast %parallel_loop3A_190 : i32 to index
            %parallel_loop3A_210 = arith.constant 48 : index
            %parallel_loop3A_211 = tpu.vector_load %arg8[%parallel_loop3A_209, %parallel_loop3A_210] {strides = array<i32>} : memref<128x128xf32, #tpu.memory_space<vmem>>, vector<16xf32>,
            %parallel_loop3A_212 = arith.constant 48 : i32
            %parallel_loop3A_213 = vector.broadcast %parallel_loop3A_212 : i32 to vector<16xi32>
            %parallel_loop3A_214 = arith.addi %parallel_loop3A_187, %parallel_loop3A_213 : vector<16xi32>
            tpu.vector_store_idx %arg9[%parallel_loop3A_214], %parallel_loop3A_211 {add = true} : memref<66560xf32, #tpu.memory_space<vmem>>[vector<16xi32>], vector<16xf32>,
            %parallel_loop3A_215 = arith.index_cast %parallel_loop3A_190 : i32 to index
            %parallel_loop3A_216 = arith.constant 64 : index
            %parallel_loop3A_217 = tpu.vector_load %arg8[%parallel_loop3A_215, %parallel_loop3A_216] {strides = array<i32>} : memref<128x128xf32, #tpu.memory_space<vmem>>, vector<16xf32>,
            %parallel_loop3A_218 = arith.constant 64 : i32
            %parallel_loop3A_219 = vector.broadcast %parallel_loop3A_218 : i32 to vector<16xi32>
            %parallel_loop3A_220 = arith.addi %parallel_loop3A_187, %parallel_loop3A_219 : vector<16xi32>
            tpu.vector_store_idx %arg9[%parallel_loop3A_220], %parallel_loop3A_217 {add = true} : memref<66560xf32, #tpu.memory_space<vmem>>[vector<16xi32>], vector<16xf32>,
            %parallel_loop3A_221 = arith.index_cast %parallel_loop3A_190 : i32 to index
            %parallel_loop3A_222 = arith.constant 80 : index
            %parallel_loop3A_223 = tpu.vector_load %arg8[%parallel_loop3A_221, %parallel_loop3A_222] {strides = array<i32>} : memref<128x128xf32, #tpu.memory_space<vmem>>, vector<16xf32>,
            %parallel_loop3A_224 = arith.constant 80 : i32
            %parallel_loop3A_225 = vector.broadcast %parallel_loop3A_224 : i32 to vector<16xi32>
            %parallel_loop3A_226 = arith.addi %parallel_loop3A_187, %parallel_loop3A_225 : vector<16xi32>
            tpu.vector_store_idx %arg9[%parallel_loop3A_226], %parallel_loop3A_223 {add = true} : memref<66560xf32, #tpu.memory_space<vmem>>[vector<16xi32>], vector<16xf32>,
            %parallel_loop3A_227 = arith.index_cast %parallel_loop3A_190 : i32 to index
            %parallel_loop3A_228 = arith.constant 96 : index
            %parallel_loop3A_229 = tpu.vector_load %arg8[%parallel_loop3A_227, %parallel_loop3A_228] {strides = array<i32>} : memref<128x128xf32, #tpu.memory_space<vmem>>, vector<16xf32>,
            %parallel_loop3A_230 = arith.constant 96 : i32
            %parallel_loop3A_231 = vector.broadcast %parallel_loop3A_230 : i32 to vector<16xi32>
            %parallel_loop3A_232 = arith.addi %parallel_loop3A_187, %parallel_loop3A_231 : vector<16xi32>
            tpu.vector_store_idx %arg9[%parallel_loop3A_232], %parallel_loop3A_229 {add = true} : memref<66560xf32, #tpu.memory_space<vmem>>[vector<16xi32>], vector<16xf32>,
            %parallel_loop3A_233 = arith.index_cast %parallel_loop3A_190 : i32 to index
            %parallel_loop3A_234 = arith.constant 112 : index
            %parallel_loop3A_235 = tpu.vector_load %arg8[%parallel_loop3A_233, %parallel_loop3A_234] {strides = array<i32>} : memref<128x128xf32, #tpu.memory_space<vmem>>, vector<16xf32>,
            %parallel_loop3A_236 = arith.constant 112 : i32
            %parallel_loop3A_237 = vector.broadcast %parallel_loop3A_236 : i32 to vector<16xi32>
            %parallel_loop3A_238 = arith.addi %parallel_loop3A_187, %parallel_loop3A_237 : vector<16xi32>
            tpu.vector_store_idx %arg9[%parallel_loop3A_238], %parallel_loop3A_235 {add = true} : memref<66560xf32, #tpu.memory_space<vmem>>[vector<16xi32>], vector<16xf32>,
          } {sc.loop_unroll_factor = 4 : i64, sc.parallel_access}
          %scan3A_177 = arith.constant 0 : i32
          scf.yield %scan3A_177 : i32
        }
        %scan3A_125 = arith.constant 8 : i32
        %scan3A_126 = arith.constant 0 : i32
        scf.yield %scan3A_126 : i32
      }
      %scan3A_40 = arith.constant 4 : i32
      %scan3A_41 = arith.constant 0 : i32
      scf.yield %scan3A_41 : i32
    }
    %scan3A_20 = arith.constant 16 : i32
    %scan3A_21 = arith.constant 0 : i32
    %scan3A_22 = arith.constant 0 : i32
    %scan3A_23 = arith.constant 4 : i32
    %scan3A_24 = arith.addi %scan3A_22, %scan3A_23 : i32
    %scan3A_25 = arith.constant 1 : i32
    %scan3A_26 = scf.for %scan3A_30 = %scan3A_22 to %scan3A_24 step %scan3A_25 iter_args(%scan3A_31 = %scan3A_21) -> (i32)  : i32 {
      %mul3A_32 = arith.constant 8320 : i32
      %mul3A_33 = arith.muli %scan3A_30, %mul3A_32 : i32
      %add3A_34 = arith.addi %add3A_13, %scan3A_30 : i32
      "tpu.region"() ({
        %run_scoped3A = tpu.sem_alloc : memref<!tpu.dma_semaphore, #tpu.memory_space<semaphore_mem>>
        %dma_start3A = tpu.memref_slice %arg9[%mul3A_33] : memref<66560xf32, #tpu.memory_space<vmem>> -> memref<8192xf32, #tpu.memory_space<vmem>>
        %dma_start3A_36 = arith.constant 0 : i32
        %dma_start3A_37 = tpu.memref_slice %arg5[%add3A_34, %dma_start3A_36] : memref<128x8192xf32, #tpu.memory_space<hbm>> -> memref<1x8192xf32, #tpu.memory_space<hbm>>
        %dma_start3A_38 = tpu.memref_squeeze %dma_start3A_37 : memref<1x8192xf32, #tpu.memory_space<hbm>> -> memref<8192xf32, #tpu.memory_space<hbm>>
        %dma_start3A_39 = arith.constant 0 : i32
        %dma_start3A_40 = tpu.memref_slice %arg5[%add3A_34, %dma_start3A_39] : memref<128x8192xf32, #tpu.memory_space<hbm>> -> memref<1x8192xf32, #tpu.memory_space<hbm>>
        %dma_start3A_41 = tpu.memref_squeeze %dma_start3A_40 : memref<1x8192xf32, #tpu.memory_space<hbm>> -> memref<8192xf32, #tpu.memory_space<hbm>>
        %dma_start3A_42 = tpu.memref_slice %arg9[%mul3A_33] : memref<66560xf32, #tpu.memory_space<vmem>> -> memref<8192xf32, #tpu.memory_space<vmem>>
        tpu.enqueue_dma source(%dma_start3A_42 : memref<8192xf32, #tpu.memory_space<vmem>>) target(%dma_start3A_41 : memref<8192xf32, #tpu.memory_space<hbm>>) target_semaphore(%run_scoped3A : memref<!tpu.dma_semaphore, #tpu.memory_space<semaphore_mem>>)
        %dma_wait3A = tpu.memref_slice %arg9[%mul3A_33] : memref<66560xf32, #tpu.memory_space<vmem>> -> memref<8192xf32, #tpu.memory_space<vmem>>
        %dma_wait3A_43 = arith.constant 0 : i32
        %dma_wait3A_44 = tpu.memref_slice %arg5[%add3A_34, %dma_wait3A_43] : memref<128x8192xf32, #tpu.memory_space<hbm>> -> memref<1x8192xf32, #tpu.memory_space<hbm>>
        %dma_wait3A_45 = tpu.memref_squeeze %dma_wait3A_44 : memref<1x8192xf32, #tpu.memory_space<hbm>> -> memref<8192xf32, #tpu.memory_space<hbm>>
        %dma_wait3A_46 = arith.constant 0 : i32
        %dma_wait3A_47 = tpu.memref_slice %arg5[%add3A_34, %dma_wait3A_46] : memref<128x8192xf32, #tpu.memory_space<hbm>> -> memref<1x8192xf32, #tpu.memory_space<hbm>>
        %dma_wait3A_48 = tpu.memref_squeeze %dma_wait3A_47 : memref<1x8192xf32, #tpu.memory_space<hbm>> -> memref<8192xf32, #tpu.memory_space<hbm>>
        %dma_wait3A_49 = tpu.memref_slice %arg9[%mul3A_33] : memref<66560xf32, #tpu.memory_space<vmem>> -> memref<8192xf32, #tpu.memory_space<vmem>>
        tpu.wait_dma2 semaphore(%run_scoped3A : memref<!tpu.dma_semaphore, #tpu.memory_space<semaphore_mem>>) src(%dma_wait3A_49 : memref<8192xf32, #tpu.memory_space<vmem>>) dst(%dma_wait3A_48 : memref<8192xf32, #tpu.memory_space<hbm>>)
        tpu.yield
      }) : () -> ()
      %scan3A_35 = arith.constant 0 : i32
      scf.yield %scan3A_35 : i32
    }
    %scan3A_27 = arith.constant 4 : i32
    %scan3A_28 = arith.constant 0 : i32
    %scan3A_29 = arith.constant 1 : i32
    return
  }
}

module attributes {stable_mosaic.version = 14 : i64} {
  func.func @_tc_bin_body(%arg0: i32, %arg1: memref<1x2048xf32, #tpu.memory_space<vmem>>, %arg2: memref<1x2048xf32, #tpu.memory_space<vmem>>, %arg3: memref<1x2048xf32, #tpu.memory_space<vmem>>, %arg4: memref<2048x1xf32, #tpu.memory_space<vmem>>, %arg5: memref<2048x1xf32, #tpu.memory_space<vmem>>, %arg6: memref<2048x1xf32, #tpu.memory_space<vmem>>, %arg7: memref<2048x128xbf16, #tpu.memory_space<vmem>>, %arg8: memref<8192x128xbf16, #tpu.memory_space<vmem>>, %arg9: memref<1x128xf32, #tpu.memory_space<vmem>>, %arg10: memref<128x128xf32, #tpu.memory_space<vmem>>, %arg11: memref<128x8192xbf16, #tpu.memory_space<vmem>>) attributes {dimension_semantics = [#tpu.dimension_semantics<arbitrary>], iteration_bounds = array<i64: 15>, scalar_prefetch = 0 : i64, scratch_operands = 1 : i64, tpu.core_type = #tpu.core_type<tc>, window_params = [{pipeline_mode = #tpu.pipeline_mode<synchronous>, transform_indices = @transform_0, window_bounds = array<i64: 1, 2048>}, {pipeline_mode = #tpu.pipeline_mode<synchronous>, transform_indices = @transform_1, window_bounds = array<i64: 1, 2048>}, {pipeline_mode = #tpu.pipeline_mode<synchronous>, transform_indices = @transform_2, window_bounds = array<i64: 1, 2048>}, {pipeline_mode = #tpu.pipeline_mode<synchronous>, transform_indices = @transform_3, window_bounds = array<i64: 2048, 1>}, {pipeline_mode = #tpu.pipeline_mode<synchronous>, transform_indices = @transform_4, window_bounds = array<i64: 2048, 1>}, {pipeline_mode = #tpu.pipeline_mode<synchronous>, transform_indices = @transform_5, window_bounds = array<i64: 2048, 1>}, {pipeline_mode = #tpu.pipeline_mode<synchronous>, transform_indices = @transform_6, window_bounds = array<i64: 2048, 128>}, {pipeline_mode = #tpu.pipeline_mode<synchronous>, transform_indices = @transform_7, window_bounds = array<i64: 8192, 128>}, {pipeline_mode = #tpu.pipeline_mode<synchronous>, transform_indices = @transform_8, window_bounds = array<i64: 1, 128>}, {transform_indices = @transform_9, window_bounds = array<i64: 128, 128>}]} {
    %mul3A = arith.constant 128 : i32
    %mul3A_0 = arith.muli %arg0, %mul3A : i32
    %add3A = arith.constant 128 : i32
    %add3A_1 = arith.addi %add3A, %mul3A_0 : i32
    %get3A = arith.index_cast %add3A_1 : i32 to index
    %get3A_2 = arith.constant 0 : index
    %get3A_3 = vector.load %arg4[%get3A, %get3A_2] : memref<2048x1xf32, #tpu.memory_space<vmem>>, vector<128x1xf32>
    %get3A_4 = arith.index_cast %add3A_1 : i32 to index
    %get3A_5 = arith.constant 0 : index
    %get3A_6 = vector.load %arg5[%get3A_4, %get3A_5] : memref<2048x1xf32, #tpu.memory_space<vmem>>, vector<128x1xf32>
    %get3A_7 = arith.index_cast %add3A_1 : i32 to index
    %get3A_8 = arith.constant 0 : index
    %get3A_9 = vector.load %arg6[%get3A_7, %get3A_8] : memref<2048x1xf32, #tpu.memory_space<vmem>>, vector<128x1xf32>
    %get3A_10 = arith.constant 0 : index
    %get3A_11 = arith.constant 0 : index
    %get3A_12 = vector.load %arg1[%get3A_10, %get3A_11] : memref<1x2048xf32, #tpu.memory_space<vmem>>, vector<1x2048xf32>
    %sub3A = vector.broadcast %get3A_12 : vector<1x2048xf32> to vector<128x2048xf32>
    %sub3A_13 = vector.broadcast %get3A_3 : vector<128x1xf32> to vector<128x2048xf32>
    %sub3A_14 = arith.subf %sub3A, %sub3A_13 : vector<128x2048xf32>
    %get3A_15 = arith.constant 0 : index
    %get3A_16 = arith.constant 0 : index
    %get3A_17 = vector.load %arg2[%get3A_15, %get3A_16] : memref<1x2048xf32, #tpu.memory_space<vmem>>, vector<1x2048xf32>
    %sub3A_18 = vector.broadcast %get3A_17 : vector<1x2048xf32> to vector<128x2048xf32>
    %sub3A_19 = vector.broadcast %get3A_6 : vector<128x1xf32> to vector<128x2048xf32>
    %sub3A_20 = arith.subf %sub3A_18, %sub3A_19 : vector<128x2048xf32>
    %add3A_21 = arith.constant 3.200000e+01 : f32
    %add3A_22 = vector.broadcast %add3A_21 : f32 to vector<128x2048xf32>
    %add3A_23 = arith.addf %sub3A_14, %add3A_22 : vector<128x2048xf32>
    %mul3A_24 = arith.constant 1.250000e-01 : f32
    %mul3A_25 = vector.broadcast %mul3A_24 : f32 to vector<128x2048xf32>
    %mul3A_26 = arith.mulf %add3A_23, %mul3A_25 : vector<128x2048xf32>
    %floor3A = math.floor %mul3A_26 : vector<128x2048xf32>
    %jit3A = arith.constant 0.000000e+00 : f32
    %jit3A_27 = arith.constant 7.000000e+00 : f32
    %max3A = vector.broadcast %jit3A : f32 to vector<128x2048xf32>
    %max3A_28 = arith.maximumf %max3A, %floor3A : vector<128x2048xf32>
    %min3A = vector.broadcast %jit3A_27 : f32 to vector<128x2048xf32>
    %min3A_29 = arith.minimumf %min3A, %max3A_28 : vector<128x2048xf32>
    %add3A_30 = arith.constant 3.200000e+01 : f32
    %add3A_31 = vector.broadcast %add3A_30 : f32 to vector<128x2048xf32>
    %add3A_32 = arith.addf %sub3A_20, %add3A_31 : vector<128x2048xf32>
    %mul3A_33 = arith.constant 1.250000e-01 : f32
    %mul3A_34 = vector.broadcast %mul3A_33 : f32 to vector<128x2048xf32>
    %mul3A_35 = arith.mulf %add3A_32, %mul3A_34 : vector<128x2048xf32>
    %floor3A_36 = math.floor %mul3A_35 : vector<128x2048xf32>
    %jit3A_37 = arith.constant 0.000000e+00 : f32
    %jit3A_38 = arith.constant 7.000000e+00 : f32
    %max3A_39 = vector.broadcast %jit3A_37 : f32 to vector<128x2048xf32>
    %max3A_40 = arith.maximumf %max3A_39, %floor3A_36 : vector<128x2048xf32>
    %min3A_41 = vector.broadcast %jit3A_38 : f32 to vector<128x2048xf32>
    %min3A_42 = arith.minimumf %min3A_41, %max3A_40 : vector<128x2048xf32>
    %abs3A = math.absf %sub3A_14 : vector<128x2048xf32>
    %lt3A = arith.constant 3.200000e+01 : f32
    %lt3A_43 = vector.broadcast %lt3A : f32 to vector<128x2048xf32>
    %lt3A_44 = arith.cmpf olt, %abs3A, %lt3A_43 : vector<128x2048xf32>
    %abs3A_45 = math.absf %sub3A_20 : vector<128x2048xf32>
    %lt3A_46 = arith.constant 3.200000e+01 : f32
    %lt3A_47 = vector.broadcast %lt3A_46 : f32 to vector<128x2048xf32>
    %lt3A_48 = arith.cmpf olt, %abs3A_45, %lt3A_47 : vector<128x2048xf32>
    %and3A = arith.andi %lt3A_44, %lt3A_48 : vector<128x2048xi1>
    %iota3A = tpu.iota {dimensions = array<i32: 1>} : vector<128x2048xi32>
    %iota3A_49 = tpu.iota {dimensions = array<i32: 0>} : vector<128x2048xi32>
    %add3A_50 = vector.broadcast %add3A_1 : i32 to vector<128x2048xi32>
    %add3A_51 = arith.addi %iota3A_49, %add3A_50 : vector<128x2048xi32>
    %ne3A = arith.cmpi ne, %iota3A, %add3A_51 : vector<128x2048xi32>
    %and3A_52 = arith.andi %and3A, %ne3A : vector<128x2048xi1>
    %jit3A_53 = arith.constant 1.000000e+00 : f32
    %jit3A_54 = arith.constant 0.000000e+00 : f32
    %broadcast_in_dim3A = vector.broadcast %jit3A_53 : f32 to vector<128x2048xf32>
    %broadcast_in_dim3A_55 = vector.broadcast %jit3A_54 : f32 to vector<128x2048xf32>
    %select_n3A = arith.select %and3A_52, %broadcast_in_dim3A, %broadcast_in_dim3A_55 : vector<128x2048xi1>, vector<128x2048xf32>
    %get3A_56 = arith.constant 0 : index
    %get3A_57 = arith.constant 0 : index
    %get3A_58 = vector.load %arg3[%get3A_56, %get3A_57] : memref<1x2048xf32, #tpu.memory_space<vmem>>, vector<1x2048xf32>
    %mul3A_59 = vector.broadcast %get3A_58 : vector<1x2048xf32> to vector<128x2048xf32>
    %mul3A_60 = arith.mulf %select_n3A, %mul3A_59 : vector<128x2048xf32>
    %eq3A = arith.constant 0.000000e+00 : f32
    %eq3A_61 = vector.broadcast %eq3A : f32 to vector<128x2048xf32>
    %eq3A_62 = arith.cmpf oeq, %min3A_42, %eq3A_61 : vector<128x2048xf32>
    %jit3A_63 = arith.constant 1.000000e+00 : f32
    %jit3A_64 = arith.constant 0.000000e+00 : f32
    %broadcast_in_dim3A_65 = vector.broadcast %jit3A_63 : f32 to vector<128x2048xf32>
    %broadcast_in_dim3A_66 = vector.broadcast %jit3A_64 : f32 to vector<128x2048xf32>
    %select_n3A_67 = arith.select %eq3A_62, %broadcast_in_dim3A_65, %broadcast_in_dim3A_66 : vector<128x2048xi1>, vector<128x2048xf32>
    %mul3A_68 = arith.mulf %select_n3A_67, %mul3A_60 : vector<128x2048xf32>
    %convert_element_type3A = arith.truncf %mul3A_68 : vector<128x2048xf32> to vector<128x2048xbf16>
    %eq3A_69 = arith.constant 1.000000e+00 : f32
    %eq3A_70 = vector.broadcast %eq3A_69 : f32 to vector<128x2048xf32>
    %eq3A_71 = arith.cmpf oeq, %min3A_42, %eq3A_70 : vector<128x2048xf32>
    %jit3A_72 = arith.constant 1.000000e+00 : f32
    %jit3A_73 = arith.constant 0.000000e+00 : f32
    %broadcast_in_dim3A_74 = vector.broadcast %jit3A_72 : f32 to vector<128x2048xf32>
    %broadcast_in_dim3A_75 = vector.broadcast %jit3A_73 : f32 to vector<128x2048xf32>
    %select_n3A_76 = arith.select %eq3A_71, %broadcast_in_dim3A_74, %broadcast_in_dim3A_75 : vector<128x2048xi1>, vector<128x2048xf32>
    %mul3A_77 = arith.mulf %select_n3A_76, %mul3A_60 : vector<128x2048xf32>
    %convert_element_type3A_78 = arith.truncf %mul3A_77 : vector<128x2048xf32> to vector<128x2048xbf16>
    %eq3A_79 = arith.constant 2.000000e+00 : f32
    %eq3A_80 = vector.broadcast %eq3A_79 : f32 to vector<128x2048xf32>
    %eq3A_81 = arith.cmpf oeq, %min3A_42, %eq3A_80 : vector<128x2048xf32>
    %jit3A_82 = arith.constant 1.000000e+00 : f32
    %jit3A_83 = arith.constant 0.000000e+00 : f32
    %broadcast_in_dim3A_84 = vector.broadcast %jit3A_82 : f32 to vector<128x2048xf32>
    %broadcast_in_dim3A_85 = vector.broadcast %jit3A_83 : f32 to vector<128x2048xf32>
    %select_n3A_86 = arith.select %eq3A_81, %broadcast_in_dim3A_84, %broadcast_in_dim3A_85 : vector<128x2048xi1>, vector<128x2048xf32>
    %mul3A_87 = arith.mulf %select_n3A_86, %mul3A_60 : vector<128x2048xf32>
    %convert_element_type3A_88 = arith.truncf %mul3A_87 : vector<128x2048xf32> to vector<128x2048xbf16>
    %eq3A_89 = arith.constant 3.000000e+00 : f32
    %eq3A_90 = vector.broadcast %eq3A_89 : f32 to vector<128x2048xf32>
    %eq3A_91 = arith.cmpf oeq, %min3A_42, %eq3A_90 : vector<128x2048xf32>
    %jit3A_92 = arith.constant 1.000000e+00 : f32
    %jit3A_93 = arith.constant 0.000000e+00 : f32
    %broadcast_in_dim3A_94 = vector.broadcast %jit3A_92 : f32 to vector<128x2048xf32>
    %broadcast_in_dim3A_95 = vector.broadcast %jit3A_93 : f32 to vector<128x2048xf32>
    %select_n3A_96 = arith.select %eq3A_91, %broadcast_in_dim3A_94, %broadcast_in_dim3A_95 : vector<128x2048xi1>, vector<128x2048xf32>
    %mul3A_97 = arith.mulf %select_n3A_96, %mul3A_60 : vector<128x2048xf32>
    %convert_element_type3A_98 = arith.truncf %mul3A_97 : vector<128x2048xf32> to vector<128x2048xbf16>
    %eq3A_99 = arith.constant 4.000000e+00 : f32
    %eq3A_100 = vector.broadcast %eq3A_99 : f32 to vector<128x2048xf32>
    %eq3A_101 = arith.cmpf oeq, %min3A_42, %eq3A_100 : vector<128x2048xf32>
    %jit3A_102 = arith.constant 1.000000e+00 : f32
    %jit3A_103 = arith.constant 0.000000e+00 : f32
    %broadcast_in_dim3A_104 = vector.broadcast %jit3A_102 : f32 to vector<128x2048xf32>
    %broadcast_in_dim3A_105 = vector.broadcast %jit3A_103 : f32 to vector<128x2048xf32>
    %select_n3A_106 = arith.select %eq3A_101, %broadcast_in_dim3A_104, %broadcast_in_dim3A_105 : vector<128x2048xi1>, vector<128x2048xf32>
    %mul3A_107 = arith.mulf %select_n3A_106, %mul3A_60 : vector<128x2048xf32>
    %convert_element_type3A_108 = arith.truncf %mul3A_107 : vector<128x2048xf32> to vector<128x2048xbf16>
    %eq3A_109 = arith.constant 5.000000e+00 : f32
    %eq3A_110 = vector.broadcast %eq3A_109 : f32 to vector<128x2048xf32>
    %eq3A_111 = arith.cmpf oeq, %min3A_42, %eq3A_110 : vector<128x2048xf32>
    %jit3A_112 = arith.constant 1.000000e+00 : f32
    %jit3A_113 = arith.constant 0.000000e+00 : f32
    %broadcast_in_dim3A_114 = vector.broadcast %jit3A_112 : f32 to vector<128x2048xf32>
    %broadcast_in_dim3A_115 = vector.broadcast %jit3A_113 : f32 to vector<128x2048xf32>
    %select_n3A_116 = arith.select %eq3A_111, %broadcast_in_dim3A_114, %broadcast_in_dim3A_115 : vector<128x2048xi1>, vector<128x2048xf32>
    %mul3A_117 = arith.mulf %select_n3A_116, %mul3A_60 : vector<128x2048xf32>
    %convert_element_type3A_118 = arith.truncf %mul3A_117 : vector<128x2048xf32> to vector<128x2048xbf16>
    %eq3A_119 = arith.constant 6.000000e+00 : f32
    %eq3A_120 = vector.broadcast %eq3A_119 : f32 to vector<128x2048xf32>
    %eq3A_121 = arith.cmpf oeq, %min3A_42, %eq3A_120 : vector<128x2048xf32>
    %jit3A_122 = arith.constant 1.000000e+00 : f32
    %jit3A_123 = arith.constant 0.000000e+00 : f32
    %broadcast_in_dim3A_124 = vector.broadcast %jit3A_122 : f32 to vector<128x2048xf32>
    %broadcast_in_dim3A_125 = vector.broadcast %jit3A_123 : f32 to vector<128x2048xf32>
    %select_n3A_126 = arith.select %eq3A_121, %broadcast_in_dim3A_124, %broadcast_in_dim3A_125 : vector<128x2048xi1>, vector<128x2048xf32>
    %mul3A_127 = arith.mulf %select_n3A_126, %mul3A_60 : vector<128x2048xf32>
    %convert_element_type3A_128 = arith.truncf %mul3A_127 : vector<128x2048xf32> to vector<128x2048xbf16>
    %eq3A_129 = arith.constant 7.000000e+00 : f32
    %eq3A_130 = vector.broadcast %eq3A_129 : f32 to vector<128x2048xf32>
    %eq3A_131 = arith.cmpf oeq, %min3A_42, %eq3A_130 : vector<128x2048xf32>
    %jit3A_132 = arith.constant 1.000000e+00 : f32
    %jit3A_133 = arith.constant 0.000000e+00 : f32
    %broadcast_in_dim3A_134 = vector.broadcast %jit3A_132 : f32 to vector<128x2048xf32>
    %broadcast_in_dim3A_135 = vector.broadcast %jit3A_133 : f32 to vector<128x2048xf32>
    %select_n3A_136 = arith.select %eq3A_131, %broadcast_in_dim3A_134, %broadcast_in_dim3A_135 : vector<128x2048xi1>, vector<128x2048xf32>
    %mul3A_137 = arith.mulf %select_n3A_136, %mul3A_60 : vector<128x2048xf32>
    %convert_element_type3A_138 = arith.truncf %mul3A_137 : vector<128x2048xf32> to vector<128x2048xbf16>
    %eq3A_139 = arith.constant 0.000000e+00 : f32
    %eq3A_140 = vector.broadcast %eq3A_139 : f32 to vector<128x2048xf32>
    %eq3A_141 = arith.cmpf oeq, %min3A_29, %eq3A_140 : vector<128x2048xf32>
    %jit3A_142 = arith.constant 1.000000e+00 : f32
    %jit3A_143 = arith.constant 0.000000e+00 : f32
    %broadcast_in_dim3A_144 = vector.broadcast %jit3A_142 : f32 to vector<128x2048xf32>
    %broadcast_in_dim3A_145 = vector.broadcast %jit3A_143 : f32 to vector<128x2048xf32>
    %select_n3A_146 = arith.select %eq3A_141, %broadcast_in_dim3A_144, %broadcast_in_dim3A_145 : vector<128x2048xi1>, vector<128x2048xf32>
    %convert_element_type3A_147 = arith.truncf %select_n3A_146 : vector<128x2048xf32> to vector<128x2048xbf16>
    %eq3A_148 = arith.constant 1.000000e+00 : f32
    %eq3A_149 = vector.broadcast %eq3A_148 : f32 to vector<128x2048xf32>
    %eq3A_150 = arith.cmpf oeq, %min3A_29, %eq3A_149 : vector<128x2048xf32>
    %jit3A_151 = arith.constant 1.000000e+00 : f32
    %jit3A_152 = arith.constant 0.000000e+00 : f32
    %broadcast_in_dim3A_153 = vector.broadcast %jit3A_151 : f32 to vector<128x2048xf32>
    %broadcast_in_dim3A_154 = vector.broadcast %jit3A_152 : f32 to vector<128x2048xf32>
    %select_n3A_155 = arith.select %eq3A_150, %broadcast_in_dim3A_153, %broadcast_in_dim3A_154 : vector<128x2048xi1>, vector<128x2048xf32>
    %convert_element_type3A_156 = arith.truncf %select_n3A_155 : vector<128x2048xf32> to vector<128x2048xbf16>
    %eq3A_157 = arith.constant 2.000000e+00 : f32
    %eq3A_158 = vector.broadcast %eq3A_157 : f32 to vector<128x2048xf32>
    %eq3A_159 = arith.cmpf oeq, %min3A_29, %eq3A_158 : vector<128x2048xf32>
    %jit3A_160 = arith.constant 1.000000e+00 : f32
    %jit3A_161 = arith.constant 0.000000e+00 : f32
    %broadcast_in_dim3A_162 = vector.broadcast %jit3A_160 : f32 to vector<128x2048xf32>
    %broadcast_in_dim3A_163 = vector.broadcast %jit3A_161 : f32 to vector<128x2048xf32>
    %select_n3A_164 = arith.select %eq3A_159, %broadcast_in_dim3A_162, %broadcast_in_dim3A_163 : vector<128x2048xi1>, vector<128x2048xf32>
    %convert_element_type3A_165 = arith.truncf %select_n3A_164 : vector<128x2048xf32> to vector<128x2048xbf16>
    %eq3A_166 = arith.constant 3.000000e+00 : f32
    %eq3A_167 = vector.broadcast %eq3A_166 : f32 to vector<128x2048xf32>
    %eq3A_168 = arith.cmpf oeq, %min3A_29, %eq3A_167 : vector<128x2048xf32>
    %jit3A_169 = arith.constant 1.000000e+00 : f32
    %jit3A_170 = arith.constant 0.000000e+00 : f32
    %broadcast_in_dim3A_171 = vector.broadcast %jit3A_169 : f32 to vector<128x2048xf32>
    %broadcast_in_dim3A_172 = vector.broadcast %jit3A_170 : f32 to vector<128x2048xf32>
    %select_n3A_173 = arith.select %eq3A_168, %broadcast_in_dim3A_171, %broadcast_in_dim3A_172 : vector<128x2048xi1>, vector<128x2048xf32>
    %convert_element_type3A_174 = arith.truncf %select_n3A_173 : vector<128x2048xf32> to vector<128x2048xbf16>
    %eq3A_175 = arith.constant 4.000000e+00 : f32
    %eq3A_176 = vector.broadcast %eq3A_175 : f32 to vector<128x2048xf32>
    %eq3A_177 = arith.cmpf oeq, %min3A_29, %eq3A_176 : vector<128x2048xf32>
    %jit3A_178 = arith.constant 1.000000e+00 : f32
    %jit3A_179 = arith.constant 0.000000e+00 : f32
    %broadcast_in_dim3A_180 = vector.broadcast %jit3A_178 : f32 to vector<128x2048xf32>
    %broadcast_in_dim3A_181 = vector.broadcast %jit3A_179 : f32 to vector<128x2048xf32>
    %select_n3A_182 = arith.select %eq3A_177, %broadcast_in_dim3A_180, %broadcast_in_dim3A_181 : vector<128x2048xi1>, vector<128x2048xf32>
    %convert_element_type3A_183 = arith.truncf %select_n3A_182 : vector<128x2048xf32> to vector<128x2048xbf16>
    %eq3A_184 = arith.constant 5.000000e+00 : f32
    %eq3A_185 = vector.broadcast %eq3A_184 : f32 to vector<128x2048xf32>
    %eq3A_186 = arith.cmpf oeq, %min3A_29, %eq3A_185 : vector<128x2048xf32>
    %jit3A_187 = arith.constant 1.000000e+00 : f32
    %jit3A_188 = arith.constant 0.000000e+00 : f32
    %broadcast_in_dim3A_189 = vector.broadcast %jit3A_187 : f32 to vector<128x2048xf32>
    %broadcast_in_dim3A_190 = vector.broadcast %jit3A_188 : f32 to vector<128x2048xf32>
    %select_n3A_191 = arith.select %eq3A_186, %broadcast_in_dim3A_189, %broadcast_in_dim3A_190 : vector<128x2048xi1>, vector<128x2048xf32>
    %convert_element_type3A_192 = arith.truncf %select_n3A_191 : vector<128x2048xf32> to vector<128x2048xbf16>
    %eq3A_193 = arith.constant 6.000000e+00 : f32
    %eq3A_194 = vector.broadcast %eq3A_193 : f32 to vector<128x2048xf32>
    %eq3A_195 = arith.cmpf oeq, %min3A_29, %eq3A_194 : vector<128x2048xf32>
    %jit3A_196 = arith.constant 1.000000e+00 : f32
    %jit3A_197 = arith.constant 0.000000e+00 : f32
    %broadcast_in_dim3A_198 = vector.broadcast %jit3A_196 : f32 to vector<128x2048xf32>
    %broadcast_in_dim3A_199 = vector.broadcast %jit3A_197 : f32 to vector<128x2048xf32>
    %select_n3A_200 = arith.select %eq3A_195, %broadcast_in_dim3A_198, %broadcast_in_dim3A_199 : vector<128x2048xi1>, vector<128x2048xf32>
    %convert_element_type3A_201 = arith.truncf %select_n3A_200 : vector<128x2048xf32> to vector<128x2048xbf16>
    %eq3A_202 = arith.constant 7.000000e+00 : f32
    %eq3A_203 = vector.broadcast %eq3A_202 : f32 to vector<128x2048xf32>
    %eq3A_204 = arith.cmpf oeq, %min3A_29, %eq3A_203 : vector<128x2048xf32>
    %jit3A_205 = arith.constant 1.000000e+00 : f32
    %jit3A_206 = arith.constant 0.000000e+00 : f32
    %broadcast_in_dim3A_207 = vector.broadcast %jit3A_205 : f32 to vector<128x2048xf32>
    %broadcast_in_dim3A_208 = vector.broadcast %jit3A_206 : f32 to vector<128x2048xf32>
    %select_n3A_209 = arith.select %eq3A_204, %broadcast_in_dim3A_207, %broadcast_in_dim3A_208 : vector<128x2048xi1>, vector<128x2048xf32>
    %convert_element_type3A_210 = arith.truncf %select_n3A_209 : vector<128x2048xf32> to vector<128x2048xbf16>
    %get3A_211 = arith.constant 0 : index
    %get3A_212 = arith.constant 0 : index
    %get3A_213 = vector.load %arg7[%get3A_211, %get3A_212] : memref<2048x128xbf16, #tpu.memory_space<vmem>>, vector<2048x128xbf16>
    %mul3A_214 = arith.mulf %convert_element_type3A, %convert_element_type3A_147 : vector<128x2048xbf16>
    %dot_general3A = arith.constant dense<0.000000e+00> : vector<128x128xf32>
    %dot_general3A_215 = tpu.matmul %mul3A_214, %get3A_213, %dot_general3A {dimension_numbers = #tpu.dot_dimension_numbers<[1], [0], [0], [1], [0, 0, 1, 1], [], []>, transpose_lhs_hint = false} : vector<128x2048xbf16>, vector<2048x128xbf16>, vector<128x128xf32> -> vector<128x128xf32>
    %convert_element_type3A_216 = arith.truncf %dot_general3A_215 : vector<128x128xf32> to vector<128x128xbf16>
    %swap3A = arith.constant 0 : index
    %swap3A_217 = arith.constant 0 : index
    %swap3A_218 = vector.load %arg11[%swap3A, %swap3A_217] : memref<128x8192xbf16, #tpu.memory_space<vmem>>, vector<128x128xbf16>
    tpu.vector_store %arg11[%swap3A, %swap3A_217], %convert_element_type3A_216 {strides = array<i32>} : memref<128x8192xbf16, #tpu.memory_space<vmem>>, vector<128x128xbf16>,
    %mul3A_219 = arith.mulf %convert_element_type3A, %convert_element_type3A_156 : vector<128x2048xbf16>
    %dot_general3A_220 = arith.constant dense<0.000000e+00> : vector<128x128xf32>
    %dot_general3A_221 = tpu.matmul %mul3A_219, %get3A_213, %dot_general3A_220 {dimension_numbers = #tpu.dot_dimension_numbers<[1], [0], [0], [1], [0, 0, 1, 1], [], []>, transpose_lhs_hint = false} : vector<128x2048xbf16>, vector<2048x128xbf16>, vector<128x128xf32> -> vector<128x128xf32>
    %convert_element_type3A_222 = arith.truncf %dot_general3A_221 : vector<128x128xf32> to vector<128x128xbf16>
    %swap3A_223 = arith.constant 0 : index
    %swap3A_224 = arith.constant 128 : index
    %swap3A_225 = vector.load %arg11[%swap3A_223, %swap3A_224] : memref<128x8192xbf16, #tpu.memory_space<vmem>>, vector<128x128xbf16>
    tpu.vector_store %arg11[%swap3A_223, %swap3A_224], %convert_element_type3A_222 {strides = array<i32>} : memref<128x8192xbf16, #tpu.memory_space<vmem>>, vector<128x128xbf16>,
    %mul3A_226 = arith.mulf %convert_element_type3A, %convert_element_type3A_165 : vector<128x2048xbf16>
    %dot_general3A_227 = arith.constant dense<0.000000e+00> : vector<128x128xf32>
    %dot_general3A_228 = tpu.matmul %mul3A_226, %get3A_213, %dot_general3A_227 {dimension_numbers = #tpu.dot_dimension_numbers<[1], [0], [0], [1], [0, 0, 1, 1], [], []>, transpose_lhs_hint = false} : vector<128x2048xbf16>, vector<2048x128xbf16>, vector<128x128xf32> -> vector<128x128xf32>
    %convert_element_type3A_229 = arith.truncf %dot_general3A_228 : vector<128x128xf32> to vector<128x128xbf16>
    %swap3A_230 = arith.constant 0 : index
    %swap3A_231 = arith.constant 256 : index
    %swap3A_232 = vector.load %arg11[%swap3A_230, %swap3A_231] : memref<128x8192xbf16, #tpu.memory_space<vmem>>, vector<128x128xbf16>
    tpu.vector_store %arg11[%swap3A_230, %swap3A_231], %convert_element_type3A_229 {strides = array<i32>} : memref<128x8192xbf16, #tpu.memory_space<vmem>>, vector<128x128xbf16>,
    %mul3A_233 = arith.mulf %convert_element_type3A, %convert_element_type3A_174 : vector<128x2048xbf16>
    %dot_general3A_234 = arith.constant dense<0.000000e+00> : vector<128x128xf32>
    %dot_general3A_235 = tpu.matmul %mul3A_233, %get3A_213, %dot_general3A_234 {dimension_numbers = #tpu.dot_dimension_numbers<[1], [0], [0], [1], [0, 0, 1, 1], [], []>, transpose_lhs_hint = false} : vector<128x2048xbf16>, vector<2048x128xbf16>, vector<128x128xf32> -> vector<128x128xf32>
    %convert_element_type3A_236 = arith.truncf %dot_general3A_235 : vector<128x128xf32> to vector<128x128xbf16>
    %swap3A_237 = arith.constant 0 : index
    %swap3A_238 = arith.constant 384 : index
    %swap3A_239 = vector.load %arg11[%swap3A_237, %swap3A_238] : memref<128x8192xbf16, #tpu.memory_space<vmem>>, vector<128x128xbf16>
    tpu.vector_store %arg11[%swap3A_237, %swap3A_238], %convert_element_type3A_236 {strides = array<i32>} : memref<128x8192xbf16, #tpu.memory_space<vmem>>, vector<128x128xbf16>,
    %mul3A_240 = arith.mulf %convert_element_type3A, %convert_element_type3A_183 : vector<128x2048xbf16>
    %dot_general3A_241 = arith.constant dense<0.000000e+00> : vector<128x128xf32>
    %dot_general3A_242 = tpu.matmul %mul3A_240, %get3A_213, %dot_general3A_241 {dimension_numbers = #tpu.dot_dimension_numbers<[1], [0], [0], [1], [0, 0, 1, 1], [], []>, transpose_lhs_hint = false} : vector<128x2048xbf16>, vector<2048x128xbf16>, vector<128x128xf32> -> vector<128x128xf32>
    %convert_element_type3A_243 = arith.truncf %dot_general3A_242 : vector<128x128xf32> to vector<128x128xbf16>
    %swap3A_244 = arith.constant 0 : index
    %swap3A_245 = arith.constant 512 : index
    %swap3A_246 = vector.load %arg11[%swap3A_244, %swap3A_245] : memref<128x8192xbf16, #tpu.memory_space<vmem>>, vector<128x128xbf16>
    tpu.vector_store %arg11[%swap3A_244, %swap3A_245], %convert_element_type3A_243 {strides = array<i32>} : memref<128x8192xbf16, #tpu.memory_space<vmem>>, vector<128x128xbf16>,
    %mul3A_247 = arith.mulf %convert_element_type3A, %convert_element_type3A_192 : vector<128x2048xbf16>
    %dot_general3A_248 = arith.constant dense<0.000000e+00> : vector<128x128xf32>
    %dot_general3A_249 = tpu.matmul %mul3A_247, %get3A_213, %dot_general3A_248 {dimension_numbers = #tpu.dot_dimension_numbers<[1], [0], [0], [1], [0, 0, 1, 1], [], []>, transpose_lhs_hint = false} : vector<128x2048xbf16>, vector<2048x128xbf16>, vector<128x128xf32> -> vector<128x128xf32>
    %convert_element_type3A_250 = arith.truncf %dot_general3A_249 : vector<128x128xf32> to vector<128x128xbf16>
    %swap3A_251 = arith.constant 0 : index
    %swap3A_252 = arith.constant 640 : index
    %swap3A_253 = vector.load %arg11[%swap3A_251, %swap3A_252] : memref<128x8192xbf16, #tpu.memory_space<vmem>>, vector<128x128xbf16>
    tpu.vector_store %arg11[%swap3A_251, %swap3A_252], %convert_element_type3A_250 {strides = array<i32>} : memref<128x8192xbf16, #tpu.memory_space<vmem>>, vector<128x128xbf16>,
    %mul3A_254 = arith.mulf %convert_element_type3A, %convert_element_type3A_201 : vector<128x2048xbf16>
    %dot_general3A_255 = arith.constant dense<0.000000e+00> : vector<128x128xf32>
    %dot_general3A_256 = tpu.matmul %mul3A_254, %get3A_213, %dot_general3A_255 {dimension_numbers = #tpu.dot_dimension_numbers<[1], [0], [0], [1], [0, 0, 1, 1], [], []>, transpose_lhs_hint = false} : vector<128x2048xbf16>, vector<2048x128xbf16>, vector<128x128xf32> -> vector<128x128xf32>
    %convert_element_type3A_257 = arith.truncf %dot_general3A_256 : vector<128x128xf32> to vector<128x128xbf16>
    %swap3A_258 = arith.constant 0 : index
    %swap3A_259 = arith.constant 768 : index
    %swap3A_260 = vector.load %arg11[%swap3A_258, %swap3A_259] : memref<128x8192xbf16, #tpu.memory_space<vmem>>, vector<128x128xbf16>
    tpu.vector_store %arg11[%swap3A_258, %swap3A_259], %convert_element_type3A_257 {strides = array<i32>} : memref<128x8192xbf16, #tpu.memory_space<vmem>>, vector<128x128xbf16>,
    %mul3A_261 = arith.mulf %convert_element_type3A, %convert_element_type3A_210 : vector<128x2048xbf16>
    %dot_general3A_262 = arith.constant dense<0.000000e+00> : vector<128x128xf32>
    %dot_general3A_263 = tpu.matmul %mul3A_261, %get3A_213, %dot_general3A_262 {dimension_numbers = #tpu.dot_dimension_numbers<[1], [0], [0], [1], [0, 0, 1, 1], [], []>, transpose_lhs_hint = false} : vector<128x2048xbf16>, vector<2048x128xbf16>, vector<128x128xf32> -> vector<128x128xf32>
    %convert_element_type3A_264 = arith.truncf %dot_general3A_263 : vector<128x128xf32> to vector<128x128xbf16>
    %swap3A_265 = arith.constant 0 : index
    %swap3A_266 = arith.constant 896 : index
    %swap3A_267 = vector.load %arg11[%swap3A_265, %swap3A_266] : memref<128x8192xbf16, #tpu.memory_space<vmem>>, vector<128x128xbf16>
    tpu.vector_store %arg11[%swap3A_265, %swap3A_266], %convert_element_type3A_264 {strides = array<i32>} : memref<128x8192xbf16, #tpu.memory_space<vmem>>, vector<128x128xbf16>,
    %mul3A_268 = arith.mulf %convert_element_type3A_78, %convert_element_type3A_147 : vector<128x2048xbf16>
    %dot_general3A_269 = arith.constant dense<0.000000e+00> : vector<128x128xf32>
    %dot_general3A_270 = tpu.matmul %mul3A_268, %get3A_213, %dot_general3A_269 {dimension_numbers = #tpu.dot_dimension_numbers<[1], [0], [0], [1], [0, 0, 1, 1], [], []>, transpose_lhs_hint = false} : vector<128x2048xbf16>, vector<2048x128xbf16>, vector<128x128xf32> -> vector<128x128xf32>
    %convert_element_type3A_271 = arith.truncf %dot_general3A_270 : vector<128x128xf32> to vector<128x128xbf16>
    %swap3A_272 = arith.constant 0 : index
    %swap3A_273 = arith.constant 1024 : index
    %swap3A_274 = vector.load %arg11[%swap3A_272, %swap3A_273] : memref<128x8192xbf16, #tpu.memory_space<vmem>>, vector<128x128xbf16>
    tpu.vector_store %arg11[%swap3A_272, %swap3A_273], %convert_element_type3A_271 {strides = array<i32>} : memref<128x8192xbf16, #tpu.memory_space<vmem>>, vector<128x128xbf16>,
    %mul3A_275 = arith.mulf %convert_element_type3A_78, %convert_element_type3A_156 : vector<128x2048xbf16>
    %dot_general3A_276 = arith.constant dense<0.000000e+00> : vector<128x128xf32>
    %dot_general3A_277 = tpu.matmul %mul3A_275, %get3A_213, %dot_general3A_276 {dimension_numbers = #tpu.dot_dimension_numbers<[1], [0], [0], [1], [0, 0, 1, 1], [], []>, transpose_lhs_hint = false} : vector<128x2048xbf16>, vector<2048x128xbf16>, vector<128x128xf32> -> vector<128x128xf32>
    %convert_element_type3A_278 = arith.truncf %dot_general3A_277 : vector<128x128xf32> to vector<128x128xbf16>
    %swap3A_279 = arith.constant 0 : index
    %swap3A_280 = arith.constant 1152 : index
    %swap3A_281 = vector.load %arg11[%swap3A_279, %swap3A_280] : memref<128x8192xbf16, #tpu.memory_space<vmem>>, vector<128x128xbf16>
    tpu.vector_store %arg11[%swap3A_279, %swap3A_280], %convert_element_type3A_278 {strides = array<i32>} : memref<128x8192xbf16, #tpu.memory_space<vmem>>, vector<128x128xbf16>,
    %mul3A_282 = arith.mulf %convert_element_type3A_78, %convert_element_type3A_165 : vector<128x2048xbf16>
    %dot_general3A_283 = arith.constant dense<0.000000e+00> : vector<128x128xf32>
    %dot_general3A_284 = tpu.matmul %mul3A_282, %get3A_213, %dot_general3A_283 {dimension_numbers = #tpu.dot_dimension_numbers<[1], [0], [0], [1], [0, 0, 1, 1], [], []>, transpose_lhs_hint = false} : vector<128x2048xbf16>, vector<2048x128xbf16>, vector<128x128xf32> -> vector<128x128xf32>
    %convert_element_type3A_285 = arith.truncf %dot_general3A_284 : vector<128x128xf32> to vector<128x128xbf16>
    %swap3A_286 = arith.constant 0 : index
    %swap3A_287 = arith.constant 1280 : index
    %swap3A_288 = vector.load %arg11[%swap3A_286, %swap3A_287] : memref<128x8192xbf16, #tpu.memory_space<vmem>>, vector<128x128xbf16>
    tpu.vector_store %arg11[%swap3A_286, %swap3A_287], %convert_element_type3A_285 {strides = array<i32>} : memref<128x8192xbf16, #tpu.memory_space<vmem>>, vector<128x128xbf16>,
    %mul3A_289 = arith.mulf %convert_element_type3A_78, %convert_element_type3A_174 : vector<128x2048xbf16>
    %dot_general3A_290 = arith.constant dense<0.000000e+00> : vector<128x128xf32>
    %dot_general3A_291 = tpu.matmul %mul3A_289, %get3A_213, %dot_general3A_290 {dimension_numbers = #tpu.dot_dimension_numbers<[1], [0], [0], [1], [0, 0, 1, 1], [], []>, transpose_lhs_hint = false} : vector<128x2048xbf16>, vector<2048x128xbf16>, vector<128x128xf32> -> vector<128x128xf32>
    %convert_element_type3A_292 = arith.truncf %dot_general3A_291 : vector<128x128xf32> to vector<128x128xbf16>
    %swap3A_293 = arith.constant 0 : index
    %swap3A_294 = arith.constant 1408 : index
    %swap3A_295 = vector.load %arg11[%swap3A_293, %swap3A_294] : memref<128x8192xbf16, #tpu.memory_space<vmem>>, vector<128x128xbf16>
    tpu.vector_store %arg11[%swap3A_293, %swap3A_294], %convert_element_type3A_292 {strides = array<i32>} : memref<128x8192xbf16, #tpu.memory_space<vmem>>, vector<128x128xbf16>,
    %mul3A_296 = arith.mulf %convert_element_type3A_78, %convert_element_type3A_183 : vector<128x2048xbf16>
    %dot_general3A_297 = arith.constant dense<0.000000e+00> : vector<128x128xf32>
    %dot_general3A_298 = tpu.matmul %mul3A_296, %get3A_213, %dot_general3A_297 {dimension_numbers = #tpu.dot_dimension_numbers<[1], [0], [0], [1], [0, 0, 1, 1], [], []>, transpose_lhs_hint = false} : vector<128x2048xbf16>, vector<2048x128xbf16>, vector<128x128xf32> -> vector<128x128xf32>
    %convert_element_type3A_299 = arith.truncf %dot_general3A_298 : vector<128x128xf32> to vector<128x128xbf16>
    %swap3A_300 = arith.constant 0 : index
    %swap3A_301 = arith.constant 1536 : index
    %swap3A_302 = vector.load %arg11[%swap3A_300, %swap3A_301] : memref<128x8192xbf16, #tpu.memory_space<vmem>>, vector<128x128xbf16>
    tpu.vector_store %arg11[%swap3A_300, %swap3A_301], %convert_element_type3A_299 {strides = array<i32>} : memref<128x8192xbf16, #tpu.memory_space<vmem>>, vector<128x128xbf16>,
    %mul3A_303 = arith.mulf %convert_element_type3A_78, %convert_element_type3A_192 : vector<128x2048xbf16>
    %dot_general3A_304 = arith.constant dense<0.000000e+00> : vector<128x128xf32>
    %dot_general3A_305 = tpu.matmul %mul3A_303, %get3A_213, %dot_general3A_304 {dimension_numbers = #tpu.dot_dimension_numbers<[1], [0], [0], [1], [0, 0, 1, 1], [], []>, transpose_lhs_hint = false} : vector<128x2048xbf16>, vector<2048x128xbf16>, vector<128x128xf32> -> vector<128x128xf32>
    %convert_element_type3A_306 = arith.truncf %dot_general3A_305 : vector<128x128xf32> to vector<128x128xbf16>
    %swap3A_307 = arith.constant 0 : index
    %swap3A_308 = arith.constant 1664 : index
    %swap3A_309 = vector.load %arg11[%swap3A_307, %swap3A_308] : memref<128x8192xbf16, #tpu.memory_space<vmem>>, vector<128x128xbf16>
    tpu.vector_store %arg11[%swap3A_307, %swap3A_308], %convert_element_type3A_306 {strides = array<i32>} : memref<128x8192xbf16, #tpu.memory_space<vmem>>, vector<128x128xbf16>,
    %mul3A_310 = arith.mulf %convert_element_type3A_78, %convert_element_type3A_201 : vector<128x2048xbf16>
    %dot_general3A_311 = arith.constant dense<0.000000e+00> : vector<128x128xf32>
    %dot_general3A_312 = tpu.matmul %mul3A_310, %get3A_213, %dot_general3A_311 {dimension_numbers = #tpu.dot_dimension_numbers<[1], [0], [0], [1], [0, 0, 1, 1], [], []>, transpose_lhs_hint = false} : vector<128x2048xbf16>, vector<2048x128xbf16>, vector<128x128xf32> -> vector<128x128xf32>
    %convert_element_type3A_313 = arith.truncf %dot_general3A_312 : vector<128x128xf32> to vector<128x128xbf16>
    %swap3A_314 = arith.constant 0 : index
    %swap3A_315 = arith.constant 1792 : index
    %swap3A_316 = vector.load %arg11[%swap3A_314, %swap3A_315] : memref<128x8192xbf16, #tpu.memory_space<vmem>>, vector<128x128xbf16>
    tpu.vector_store %arg11[%swap3A_314, %swap3A_315], %convert_element_type3A_313 {strides = array<i32>} : memref<128x8192xbf16, #tpu.memory_space<vmem>>, vector<128x128xbf16>,
    %mul3A_317 = arith.mulf %convert_element_type3A_78, %convert_element_type3A_210 : vector<128x2048xbf16>
    %dot_general3A_318 = arith.constant dense<0.000000e+00> : vector<128x128xf32>
    %dot_general3A_319 = tpu.matmul %mul3A_317, %get3A_213, %dot_general3A_318 {dimension_numbers = #tpu.dot_dimension_numbers<[1], [0], [0], [1], [0, 0, 1, 1], [], []>, transpose_lhs_hint = false} : vector<128x2048xbf16>, vector<2048x128xbf16>, vector<128x128xf32> -> vector<128x128xf32>
    %convert_element_type3A_320 = arith.truncf %dot_general3A_319 : vector<128x128xf32> to vector<128x128xbf16>
    %swap3A_321 = arith.constant 0 : index
    %swap3A_322 = arith.constant 1920 : index
    %swap3A_323 = vector.load %arg11[%swap3A_321, %swap3A_322] : memref<128x8192xbf16, #tpu.memory_space<vmem>>, vector<128x128xbf16>
    tpu.vector_store %arg11[%swap3A_321, %swap3A_322], %convert_element_type3A_320 {strides = array<i32>} : memref<128x8192xbf16, #tpu.memory_space<vmem>>, vector<128x128xbf16>,
    %mul3A_324 = arith.mulf %convert_element_type3A_88, %convert_element_type3A_147 : vector<128x2048xbf16>
    %dot_general3A_325 = arith.constant dense<0.000000e+00> : vector<128x128xf32>
    %dot_general3A_326 = tpu.matmul %mul3A_324, %get3A_213, %dot_general3A_325 {dimension_numbers = #tpu.dot_dimension_numbers<[1], [0], [0], [1], [0, 0, 1, 1], [], []>, transpose_lhs_hint = false} : vector<128x2048xbf16>, vector<2048x128xbf16>, vector<128x128xf32> -> vector<128x128xf32>
    %convert_element_type3A_327 = arith.truncf %dot_general3A_326 : vector<128x128xf32> to vector<128x128xbf16>
    %swap3A_328 = arith.constant 0 : index
    %swap3A_329 = arith.constant 2048 : index
    %swap3A_330 = vector.load %arg11[%swap3A_328, %swap3A_329] : memref<128x8192xbf16, #tpu.memory_space<vmem>>, vector<128x128xbf16>
    tpu.vector_store %arg11[%swap3A_328, %swap3A_329], %convert_element_type3A_327 {strides = array<i32>} : memref<128x8192xbf16, #tpu.memory_space<vmem>>, vector<128x128xbf16>,
    %mul3A_331 = arith.mulf %convert_element_type3A_88, %convert_element_type3A_156 : vector<128x2048xbf16>
    %dot_general3A_332 = arith.constant dense<0.000000e+00> : vector<128x128xf32>
    %dot_general3A_333 = tpu.matmul %mul3A_331, %get3A_213, %dot_general3A_332 {dimension_numbers = #tpu.dot_dimension_numbers<[1], [0], [0], [1], [0, 0, 1, 1], [], []>, transpose_lhs_hint = false} : vector<128x2048xbf16>, vector<2048x128xbf16>, vector<128x128xf32> -> vector<128x128xf32>
    %convert_element_type3A_334 = arith.truncf %dot_general3A_333 : vector<128x128xf32> to vector<128x128xbf16>
    %swap3A_335 = arith.constant 0 : index
    %swap3A_336 = arith.constant 2176 : index
    %swap3A_337 = vector.load %arg11[%swap3A_335, %swap3A_336] : memref<128x8192xbf16, #tpu.memory_space<vmem>>, vector<128x128xbf16>
    tpu.vector_store %arg11[%swap3A_335, %swap3A_336], %convert_element_type3A_334 {strides = array<i32>} : memref<128x8192xbf16, #tpu.memory_space<vmem>>, vector<128x128xbf16>,
    %mul3A_338 = arith.mulf %convert_element_type3A_88, %convert_element_type3A_165 : vector<128x2048xbf16>
    %dot_general3A_339 = arith.constant dense<0.000000e+00> : vector<128x128xf32>
    %dot_general3A_340 = tpu.matmul %mul3A_338, %get3A_213, %dot_general3A_339 {dimension_numbers = #tpu.dot_dimension_numbers<[1], [0], [0], [1], [0, 0, 1, 1], [], []>, transpose_lhs_hint = false} : vector<128x2048xbf16>, vector<2048x128xbf16>, vector<128x128xf32> -> vector<128x128xf32>
    %convert_element_type3A_341 = arith.truncf %dot_general3A_340 : vector<128x128xf32> to vector<128x128xbf16>
    %swap3A_342 = arith.constant 0 : index
    %swap3A_343 = arith.constant 2304 : index
    %swap3A_344 = vector.load %arg11[%swap3A_342, %swap3A_343] : memref<128x8192xbf16, #tpu.memory_space<vmem>>, vector<128x128xbf16>
    tpu.vector_store %arg11[%swap3A_342, %swap3A_343], %convert_element_type3A_341 {strides = array<i32>} : memref<128x8192xbf16, #tpu.memory_space<vmem>>, vector<128x128xbf16>,
    %mul3A_345 = arith.mulf %convert_element_type3A_88, %convert_element_type3A_174 : vector<128x2048xbf16>
    %dot_general3A_346 = arith.constant dense<0.000000e+00> : vector<128x128xf32>
    %dot_general3A_347 = tpu.matmul %mul3A_345, %get3A_213, %dot_general3A_346 {dimension_numbers = #tpu.dot_dimension_numbers<[1], [0], [0], [1], [0, 0, 1, 1], [], []>, transpose_lhs_hint = false} : vector<128x2048xbf16>, vector<2048x128xbf16>, vector<128x128xf32> -> vector<128x128xf32>
    %convert_element_type3A_348 = arith.truncf %dot_general3A_347 : vector<128x128xf32> to vector<128x128xbf16>
    %swap3A_349 = arith.constant 0 : index
    %swap3A_350 = arith.constant 2432 : index
    %swap3A_351 = vector.load %arg11[%swap3A_349, %swap3A_350] : memref<128x8192xbf16, #tpu.memory_space<vmem>>, vector<128x128xbf16>
    tpu.vector_store %arg11[%swap3A_349, %swap3A_350], %convert_element_type3A_348 {strides = array<i32>} : memref<128x8192xbf16, #tpu.memory_space<vmem>>, vector<128x128xbf16>,
    %mul3A_352 = arith.mulf %convert_element_type3A_88, %convert_element_type3A_183 : vector<128x2048xbf16>
    %dot_general3A_353 = arith.constant dense<0.000000e+00> : vector<128x128xf32>
    %dot_general3A_354 = tpu.matmul %mul3A_352, %get3A_213, %dot_general3A_353 {dimension_numbers = #tpu.dot_dimension_numbers<[1], [0], [0], [1], [0, 0, 1, 1], [], []>, transpose_lhs_hint = false} : vector<128x2048xbf16>, vector<2048x128xbf16>, vector<128x128xf32> -> vector<128x128xf32>
    %convert_element_type3A_355 = arith.truncf %dot_general3A_354 : vector<128x128xf32> to vector<128x128xbf16>
    %swap3A_356 = arith.constant 0 : index
    %swap3A_357 = arith.constant 2560 : index
    %swap3A_358 = vector.load %arg11[%swap3A_356, %swap3A_357] : memref<128x8192xbf16, #tpu.memory_space<vmem>>, vector<128x128xbf16>
    tpu.vector_store %arg11[%swap3A_356, %swap3A_357], %convert_element_type3A_355 {strides = array<i32>} : memref<128x8192xbf16, #tpu.memory_space<vmem>>, vector<128x128xbf16>,
    %mul3A_359 = arith.mulf %convert_element_type3A_88, %convert_element_type3A_192 : vector<128x2048xbf16>
    %dot_general3A_360 = arith.constant dense<0.000000e+00> : vector<128x128xf32>
    %dot_general3A_361 = tpu.matmul %mul3A_359, %get3A_213, %dot_general3A_360 {dimension_numbers = #tpu.dot_dimension_numbers<[1], [0], [0], [1], [0, 0, 1, 1], [], []>, transpose_lhs_hint = false} : vector<128x2048xbf16>, vector<2048x128xbf16>, vector<128x128xf32> -> vector<128x128xf32>
    %convert_element_type3A_362 = arith.truncf %dot_general3A_361 : vector<128x128xf32> to vector<128x128xbf16>
    %swap3A_363 = arith.constant 0 : index
    %swap3A_364 = arith.constant 2688 : index
    %swap3A_365 = vector.load %arg11[%swap3A_363, %swap3A_364] : memref<128x8192xbf16, #tpu.memory_space<vmem>>, vector<128x128xbf16>
    tpu.vector_store %arg11[%swap3A_363, %swap3A_364], %convert_element_type3A_362 {strides = array<i32>} : memref<128x8192xbf16, #tpu.memory_space<vmem>>, vector<128x128xbf16>,
    %mul3A_366 = arith.mulf %convert_element_type3A_88, %convert_element_type3A_201 : vector<128x2048xbf16>
    %dot_general3A_367 = arith.constant dense<0.000000e+00> : vector<128x128xf32>
    %dot_general3A_368 = tpu.matmul %mul3A_366, %get3A_213, %dot_general3A_367 {dimension_numbers = #tpu.dot_dimension_numbers<[1], [0], [0], [1], [0, 0, 1, 1], [], []>, transpose_lhs_hint = false} : vector<128x2048xbf16>, vector<2048x128xbf16>, vector<128x128xf32> -> vector<128x128xf32>
    %convert_element_type3A_369 = arith.truncf %dot_general3A_368 : vector<128x128xf32> to vector<128x128xbf16>
    %swap3A_370 = arith.constant 0 : index
    %swap3A_371 = arith.constant 2816 : index
    %swap3A_372 = vector.load %arg11[%swap3A_370, %swap3A_371] : memref<128x8192xbf16, #tpu.memory_space<vmem>>, vector<128x128xbf16>
    tpu.vector_store %arg11[%swap3A_370, %swap3A_371], %convert_element_type3A_369 {strides = array<i32>} : memref<128x8192xbf16, #tpu.memory_space<vmem>>, vector<128x128xbf16>,
    %mul3A_373 = arith.mulf %convert_element_type3A_88, %convert_element_type3A_210 : vector<128x2048xbf16>
    %dot_general3A_374 = arith.constant dense<0.000000e+00> : vector<128x128xf32>
    %dot_general3A_375 = tpu.matmul %mul3A_373, %get3A_213, %dot_general3A_374 {dimension_numbers = #tpu.dot_dimension_numbers<[1], [0], [0], [1], [0, 0, 1, 1], [], []>, transpose_lhs_hint = false} : vector<128x2048xbf16>, vector<2048x128xbf16>, vector<128x128xf32> -> vector<128x128xf32>
    %convert_element_type3A_376 = arith.truncf %dot_general3A_375 : vector<128x128xf32> to vector<128x128xbf16>
    %swap3A_377 = arith.constant 0 : index
    %swap3A_378 = arith.constant 2944 : index
    %swap3A_379 = vector.load %arg11[%swap3A_377, %swap3A_378] : memref<128x8192xbf16, #tpu.memory_space<vmem>>, vector<128x128xbf16>
    tpu.vector_store %arg11[%swap3A_377, %swap3A_378], %convert_element_type3A_376 {strides = array<i32>} : memref<128x8192xbf16, #tpu.memory_space<vmem>>, vector<128x128xbf16>,
    %mul3A_380 = arith.mulf %convert_element_type3A_98, %convert_element_type3A_147 : vector<128x2048xbf16>
    %dot_general3A_381 = arith.constant dense<0.000000e+00> : vector<128x128xf32>
    %dot_general3A_382 = tpu.matmul %mul3A_380, %get3A_213, %dot_general3A_381 {dimension_numbers = #tpu.dot_dimension_numbers<[1], [0], [0], [1], [0, 0, 1, 1], [], []>, transpose_lhs_hint = false} : vector<128x2048xbf16>, vector<2048x128xbf16>, vector<128x128xf32> -> vector<128x128xf32>
    %convert_element_type3A_383 = arith.truncf %dot_general3A_382 : vector<128x128xf32> to vector<128x128xbf16>
    %swap3A_384 = arith.constant 0 : index
    %swap3A_385 = arith.constant 3072 : index
    %swap3A_386 = vector.load %arg11[%swap3A_384, %swap3A_385] : memref<128x8192xbf16, #tpu.memory_space<vmem>>, vector<128x128xbf16>
    tpu.vector_store %arg11[%swap3A_384, %swap3A_385], %convert_element_type3A_383 {strides = array<i32>} : memref<128x8192xbf16, #tpu.memory_space<vmem>>, vector<128x128xbf16>,
    %mul3A_387 = arith.mulf %convert_element_type3A_98, %convert_element_type3A_156 : vector<128x2048xbf16>
    %dot_general3A_388 = arith.constant dense<0.000000e+00> : vector<128x128xf32>
    %dot_general3A_389 = tpu.matmul %mul3A_387, %get3A_213, %dot_general3A_388 {dimension_numbers = #tpu.dot_dimension_numbers<[1], [0], [0], [1], [0, 0, 1, 1], [], []>, transpose_lhs_hint = false} : vector<128x2048xbf16>, vector<2048x128xbf16>, vector<128x128xf32> -> vector<128x128xf32>
    %convert_element_type3A_390 = arith.truncf %dot_general3A_389 : vector<128x128xf32> to vector<128x128xbf16>
    %swap3A_391 = arith.constant 0 : index
    %swap3A_392 = arith.constant 3200 : index
    %swap3A_393 = vector.load %arg11[%swap3A_391, %swap3A_392] : memref<128x8192xbf16, #tpu.memory_space<vmem>>, vector<128x128xbf16>
    tpu.vector_store %arg11[%swap3A_391, %swap3A_392], %convert_element_type3A_390 {strides = array<i32>} : memref<128x8192xbf16, #tpu.memory_space<vmem>>, vector<128x128xbf16>,
    %mul3A_394 = arith.mulf %convert_element_type3A_98, %convert_element_type3A_165 : vector<128x2048xbf16>
    %dot_general3A_395 = arith.constant dense<0.000000e+00> : vector<128x128xf32>
    %dot_general3A_396 = tpu.matmul %mul3A_394, %get3A_213, %dot_general3A_395 {dimension_numbers = #tpu.dot_dimension_numbers<[1], [0], [0], [1], [0, 0, 1, 1], [], []>, transpose_lhs_hint = false} : vector<128x2048xbf16>, vector<2048x128xbf16>, vector<128x128xf32> -> vector<128x128xf32>
    %convert_element_type3A_397 = arith.truncf %dot_general3A_396 : vector<128x128xf32> to vector<128x128xbf16>
    %swap3A_398 = arith.constant 0 : index
    %swap3A_399 = arith.constant 3328 : index
    %swap3A_400 = vector.load %arg11[%swap3A_398, %swap3A_399] : memref<128x8192xbf16, #tpu.memory_space<vmem>>, vector<128x128xbf16>
    tpu.vector_store %arg11[%swap3A_398, %swap3A_399], %convert_element_type3A_397 {strides = array<i32>} : memref<128x8192xbf16, #tpu.memory_space<vmem>>, vector<128x128xbf16>,
    %mul3A_401 = arith.mulf %convert_element_type3A_98, %convert_element_type3A_174 : vector<128x2048xbf16>
    %dot_general3A_402 = arith.constant dense<0.000000e+00> : vector<128x128xf32>
    %dot_general3A_403 = tpu.matmul %mul3A_401, %get3A_213, %dot_general3A_402 {dimension_numbers = #tpu.dot_dimension_numbers<[1], [0], [0], [1], [0, 0, 1, 1], [], []>, transpose_lhs_hint = false} : vector<128x2048xbf16>, vector<2048x128xbf16>, vector<128x128xf32> -> vector<128x128xf32>
    %convert_element_type3A_404 = arith.truncf %dot_general3A_403 : vector<128x128xf32> to vector<128x128xbf16>
    %swap3A_405 = arith.constant 0 : index
    %swap3A_406 = arith.constant 3456 : index
    %swap3A_407 = vector.load %arg11[%swap3A_405, %swap3A_406] : memref<128x8192xbf16, #tpu.memory_space<vmem>>, vector<128x128xbf16>
    tpu.vector_store %arg11[%swap3A_405, %swap3A_406], %convert_element_type3A_404 {strides = array<i32>} : memref<128x8192xbf16, #tpu.memory_space<vmem>>, vector<128x128xbf16>,
    %mul3A_408 = arith.mulf %convert_element_type3A_98, %convert_element_type3A_183 : vector<128x2048xbf16>
    %dot_general3A_409 = arith.constant dense<0.000000e+00> : vector<128x128xf32>
    %dot_general3A_410 = tpu.matmul %mul3A_408, %get3A_213, %dot_general3A_409 {dimension_numbers = #tpu.dot_dimension_numbers<[1], [0], [0], [1], [0, 0, 1, 1], [], []>, transpose_lhs_hint = false} : vector<128x2048xbf16>, vector<2048x128xbf16>, vector<128x128xf32> -> vector<128x128xf32>
    %convert_element_type3A_411 = arith.truncf %dot_general3A_410 : vector<128x128xf32> to vector<128x128xbf16>
    %swap3A_412 = arith.constant 0 : index
    %swap3A_413 = arith.constant 3584 : index
    %swap3A_414 = vector.load %arg11[%swap3A_412, %swap3A_413] : memref<128x8192xbf16, #tpu.memory_space<vmem>>, vector<128x128xbf16>
    tpu.vector_store %arg11[%swap3A_412, %swap3A_413], %convert_element_type3A_411 {strides = array<i32>} : memref<128x8192xbf16, #tpu.memory_space<vmem>>, vector<128x128xbf16>,
    %mul3A_415 = arith.mulf %convert_element_type3A_98, %convert_element_type3A_192 : vector<128x2048xbf16>
    %dot_general3A_416 = arith.constant dense<0.000000e+00> : vector<128x128xf32>
    %dot_general3A_417 = tpu.matmul %mul3A_415, %get3A_213, %dot_general3A_416 {dimension_numbers = #tpu.dot_dimension_numbers<[1], [0], [0], [1], [0, 0, 1, 1], [], []>, transpose_lhs_hint = false} : vector<128x2048xbf16>, vector<2048x128xbf16>, vector<128x128xf32> -> vector<128x128xf32>
    %convert_element_type3A_418 = arith.truncf %dot_general3A_417 : vector<128x128xf32> to vector<128x128xbf16>
    %swap3A_419 = arith.constant 0 : index
    %swap3A_420 = arith.constant 3712 : index
    %swap3A_421 = vector.load %arg11[%swap3A_419, %swap3A_420] : memref<128x8192xbf16, #tpu.memory_space<vmem>>, vector<128x128xbf16>
    tpu.vector_store %arg11[%swap3A_419, %swap3A_420], %convert_element_type3A_418 {strides = array<i32>} : memref<128x8192xbf16, #tpu.memory_space<vmem>>, vector<128x128xbf16>,
    %mul3A_422 = arith.mulf %convert_element_type3A_98, %convert_element_type3A_201 : vector<128x2048xbf16>
    %dot_general3A_423 = arith.constant dense<0.000000e+00> : vector<128x128xf32>
    %dot_general3A_424 = tpu.matmul %mul3A_422, %get3A_213, %dot_general3A_423 {dimension_numbers = #tpu.dot_dimension_numbers<[1], [0], [0], [1], [0, 0, 1, 1], [], []>, transpose_lhs_hint = false} : vector<128x2048xbf16>, vector<2048x128xbf16>, vector<128x128xf32> -> vector<128x128xf32>
    %convert_element_type3A_425 = arith.truncf %dot_general3A_424 : vector<128x128xf32> to vector<128x128xbf16>
    %swap3A_426 = arith.constant 0 : index
    %swap3A_427 = arith.constant 3840 : index
    %swap3A_428 = vector.load %arg11[%swap3A_426, %swap3A_427] : memref<128x8192xbf16, #tpu.memory_space<vmem>>, vector<128x128xbf16>
    tpu.vector_store %arg11[%swap3A_426, %swap3A_427], %convert_element_type3A_425 {strides = array<i32>} : memref<128x8192xbf16, #tpu.memory_space<vmem>>, vector<128x128xbf16>,
    %mul3A_429 = arith.mulf %convert_element_type3A_98, %convert_element_type3A_210 : vector<128x2048xbf16>
    %dot_general3A_430 = arith.constant dense<0.000000e+00> : vector<128x128xf32>
    %dot_general3A_431 = tpu.matmul %mul3A_429, %get3A_213, %dot_general3A_430 {dimension_numbers = #tpu.dot_dimension_numbers<[1], [0], [0], [1], [0, 0, 1, 1], [], []>, transpose_lhs_hint = false} : vector<128x2048xbf16>, vector<2048x128xbf16>, vector<128x128xf32> -> vector<128x128xf32>
    %convert_element_type3A_432 = arith.truncf %dot_general3A_431 : vector<128x128xf32> to vector<128x128xbf16>
    %swap3A_433 = arith.constant 0 : index
    %swap3A_434 = arith.constant 3968 : index
    %swap3A_435 = vector.load %arg11[%swap3A_433, %swap3A_434] : memref<128x8192xbf16, #tpu.memory_space<vmem>>, vector<128x128xbf16>
    tpu.vector_store %arg11[%swap3A_433, %swap3A_434], %convert_element_type3A_432 {strides = array<i32>} : memref<128x8192xbf16, #tpu.memory_space<vmem>>, vector<128x128xbf16>,
    %mul3A_436 = arith.mulf %convert_element_type3A_108, %convert_element_type3A_147 : vector<128x2048xbf16>
    %dot_general3A_437 = arith.constant dense<0.000000e+00> : vector<128x128xf32>
    %dot_general3A_438 = tpu.matmul %mul3A_436, %get3A_213, %dot_general3A_437 {dimension_numbers = #tpu.dot_dimension_numbers<[1], [0], [0], [1], [0, 0, 1, 1], [], []>, transpose_lhs_hint = false} : vector<128x2048xbf16>, vector<2048x128xbf16>, vector<128x128xf32> -> vector<128x128xf32>
    %convert_element_type3A_439 = arith.truncf %dot_general3A_438 : vector<128x128xf32> to vector<128x128xbf16>
    %swap3A_440 = arith.constant 0 : index
    %swap3A_441 = arith.constant 4096 : index
    %swap3A_442 = vector.load %arg11[%swap3A_440, %swap3A_441] : memref<128x8192xbf16, #tpu.memory_space<vmem>>, vector<128x128xbf16>
    tpu.vector_store %arg11[%swap3A_440, %swap3A_441], %convert_element_type3A_439 {strides = array<i32>} : memref<128x8192xbf16, #tpu.memory_space<vmem>>, vector<128x128xbf16>,
    %mul3A_443 = arith.mulf %convert_element_type3A_108, %convert_element_type3A_156 : vector<128x2048xbf16>
    %dot_general3A_444 = arith.constant dense<0.000000e+00> : vector<128x128xf32>
    %dot_general3A_445 = tpu.matmul %mul3A_443, %get3A_213, %dot_general3A_444 {dimension_numbers = #tpu.dot_dimension_numbers<[1], [0], [0], [1], [0, 0, 1, 1], [], []>, transpose_lhs_hint = false} : vector<128x2048xbf16>, vector<2048x128xbf16>, vector<128x128xf32> -> vector<128x128xf32>
    %convert_element_type3A_446 = arith.truncf %dot_general3A_445 : vector<128x128xf32> to vector<128x128xbf16>
    %swap3A_447 = arith.constant 0 : index
    %swap3A_448 = arith.constant 4224 : index
    %swap3A_449 = vector.load %arg11[%swap3A_447, %swap3A_448] : memref<128x8192xbf16, #tpu.memory_space<vmem>>, vector<128x128xbf16>
    tpu.vector_store %arg11[%swap3A_447, %swap3A_448], %convert_element_type3A_446 {strides = array<i32>} : memref<128x8192xbf16, #tpu.memory_space<vmem>>, vector<128x128xbf16>,
    %mul3A_450 = arith.mulf %convert_element_type3A_108, %convert_element_type3A_165 : vector<128x2048xbf16>
    %dot_general3A_451 = arith.constant dense<0.000000e+00> : vector<128x128xf32>
    %dot_general3A_452 = tpu.matmul %mul3A_450, %get3A_213, %dot_general3A_451 {dimension_numbers = #tpu.dot_dimension_numbers<[1], [0], [0], [1], [0, 0, 1, 1], [], []>, transpose_lhs_hint = false} : vector<128x2048xbf16>, vector<2048x128xbf16>, vector<128x128xf32> -> vector<128x128xf32>
    %convert_element_type3A_453 = arith.truncf %dot_general3A_452 : vector<128x128xf32> to vector<128x128xbf16>
    %swap3A_454 = arith.constant 0 : index
    %swap3A_455 = arith.constant 4352 : index
    %swap3A_456 = vector.load %arg11[%swap3A_454, %swap3A_455] : memref<128x8192xbf16, #tpu.memory_space<vmem>>, vector<128x128xbf16>
    tpu.vector_store %arg11[%swap3A_454, %swap3A_455], %convert_element_type3A_453 {strides = array<i32>} : memref<128x8192xbf16, #tpu.memory_space<vmem>>, vector<128x128xbf16>,
    %mul3A_457 = arith.mulf %convert_element_type3A_108, %convert_element_type3A_174 : vector<128x2048xbf16>
    %dot_general3A_458 = arith.constant dense<0.000000e+00> : vector<128x128xf32>
    %dot_general3A_459 = tpu.matmul %mul3A_457, %get3A_213, %dot_general3A_458 {dimension_numbers = #tpu.dot_dimension_numbers<[1], [0], [0], [1], [0, 0, 1, 1], [], []>, transpose_lhs_hint = false} : vector<128x2048xbf16>, vector<2048x128xbf16>, vector<128x128xf32> -> vector<128x128xf32>
    %convert_element_type3A_460 = arith.truncf %dot_general3A_459 : vector<128x128xf32> to vector<128x128xbf16>
    %swap3A_461 = arith.constant 0 : index
    %swap3A_462 = arith.constant 4480 : index
    %swap3A_463 = vector.load %arg11[%swap3A_461, %swap3A_462] : memref<128x8192xbf16, #tpu.memory_space<vmem>>, vector<128x128xbf16>
    tpu.vector_store %arg11[%swap3A_461, %swap3A_462], %convert_element_type3A_460 {strides = array<i32>} : memref<128x8192xbf16, #tpu.memory_space<vmem>>, vector<128x128xbf16>,
    %mul3A_464 = arith.mulf %convert_element_type3A_108, %convert_element_type3A_183 : vector<128x2048xbf16>
    %dot_general3A_465 = arith.constant dense<0.000000e+00> : vector<128x128xf32>
    %dot_general3A_466 = tpu.matmul %mul3A_464, %get3A_213, %dot_general3A_465 {dimension_numbers = #tpu.dot_dimension_numbers<[1], [0], [0], [1], [0, 0, 1, 1], [], []>, transpose_lhs_hint = false} : vector<128x2048xbf16>, vector<2048x128xbf16>, vector<128x128xf32> -> vector<128x128xf32>
    %convert_element_type3A_467 = arith.truncf %dot_general3A_466 : vector<128x128xf32> to vector<128x128xbf16>
    %swap3A_468 = arith.constant 0 : index
    %swap3A_469 = arith.constant 4608 : index
    %swap3A_470 = vector.load %arg11[%swap3A_468, %swap3A_469] : memref<128x8192xbf16, #tpu.memory_space<vmem>>, vector<128x128xbf16>
    tpu.vector_store %arg11[%swap3A_468, %swap3A_469], %convert_element_type3A_467 {strides = array<i32>} : memref<128x8192xbf16, #tpu.memory_space<vmem>>, vector<128x128xbf16>,
    %mul3A_471 = arith.mulf %convert_element_type3A_108, %convert_element_type3A_192 : vector<128x2048xbf16>
    %dot_general3A_472 = arith.constant dense<0.000000e+00> : vector<128x128xf32>
    %dot_general3A_473 = tpu.matmul %mul3A_471, %get3A_213, %dot_general3A_472 {dimension_numbers = #tpu.dot_dimension_numbers<[1], [0], [0], [1], [0, 0, 1, 1], [], []>, transpose_lhs_hint = false} : vector<128x2048xbf16>, vector<2048x128xbf16>, vector<128x128xf32> -> vector<128x128xf32>
    %convert_element_type3A_474 = arith.truncf %dot_general3A_473 : vector<128x128xf32> to vector<128x128xbf16>
    %swap3A_475 = arith.constant 0 : index
    %swap3A_476 = arith.constant 4736 : index
    %swap3A_477 = vector.load %arg11[%swap3A_475, %swap3A_476] : memref<128x8192xbf16, #tpu.memory_space<vmem>>, vector<128x128xbf16>
    tpu.vector_store %arg11[%swap3A_475, %swap3A_476], %convert_element_type3A_474 {strides = array<i32>} : memref<128x8192xbf16, #tpu.memory_space<vmem>>, vector<128x128xbf16>,
    %mul3A_478 = arith.mulf %convert_element_type3A_108, %convert_element_type3A_201 : vector<128x2048xbf16>
    %dot_general3A_479 = arith.constant dense<0.000000e+00> : vector<128x128xf32>
    %dot_general3A_480 = tpu.matmul %mul3A_478, %get3A_213, %dot_general3A_479 {dimension_numbers = #tpu.dot_dimension_numbers<[1], [0], [0], [1], [0, 0, 1, 1], [], []>, transpose_lhs_hint = false} : vector<128x2048xbf16>, vector<2048x128xbf16>, vector<128x128xf32> -> vector<128x128xf32>
    %convert_element_type3A_481 = arith.truncf %dot_general3A_480 : vector<128x128xf32> to vector<128x128xbf16>
    %swap3A_482 = arith.constant 0 : index
    %swap3A_483 = arith.constant 4864 : index
    %swap3A_484 = vector.load %arg11[%swap3A_482, %swap3A_483] : memref<128x8192xbf16, #tpu.memory_space<vmem>>, vector<128x128xbf16>
    tpu.vector_store %arg11[%swap3A_482, %swap3A_483], %convert_element_type3A_481 {strides = array<i32>} : memref<128x8192xbf16, #tpu.memory_space<vmem>>, vector<128x128xbf16>,
    %mul3A_485 = arith.mulf %convert_element_type3A_108, %convert_element_type3A_210 : vector<128x2048xbf16>
    %dot_general3A_486 = arith.constant dense<0.000000e+00> : vector<128x128xf32>
    %dot_general3A_487 = tpu.matmul %mul3A_485, %get3A_213, %dot_general3A_486 {dimension_numbers = #tpu.dot_dimension_numbers<[1], [0], [0], [1], [0, 0, 1, 1], [], []>, transpose_lhs_hint = false} : vector<128x2048xbf16>, vector<2048x128xbf16>, vector<128x128xf32> -> vector<128x128xf32>
    %convert_element_type3A_488 = arith.truncf %dot_general3A_487 : vector<128x128xf32> to vector<128x128xbf16>
    %swap3A_489 = arith.constant 0 : index
    %swap3A_490 = arith.constant 4992 : index
    %swap3A_491 = vector.load %arg11[%swap3A_489, %swap3A_490] : memref<128x8192xbf16, #tpu.memory_space<vmem>>, vector<128x128xbf16>
    tpu.vector_store %arg11[%swap3A_489, %swap3A_490], %convert_element_type3A_488 {strides = array<i32>} : memref<128x8192xbf16, #tpu.memory_space<vmem>>, vector<128x128xbf16>,
    %mul3A_492 = arith.mulf %convert_element_type3A_118, %convert_element_type3A_147 : vector<128x2048xbf16>
    %dot_general3A_493 = arith.constant dense<0.000000e+00> : vector<128x128xf32>
    %dot_general3A_494 = tpu.matmul %mul3A_492, %get3A_213, %dot_general3A_493 {dimension_numbers = #tpu.dot_dimension_numbers<[1], [0], [0], [1], [0, 0, 1, 1], [], []>, transpose_lhs_hint = false} : vector<128x2048xbf16>, vector<2048x128xbf16>, vector<128x128xf32> -> vector<128x128xf32>
    %convert_element_type3A_495 = arith.truncf %dot_general3A_494 : vector<128x128xf32> to vector<128x128xbf16>
    %swap3A_496 = arith.constant 0 : index
    %swap3A_497 = arith.constant 5120 : index
    %swap3A_498 = vector.load %arg11[%swap3A_496, %swap3A_497] : memref<128x8192xbf16, #tpu.memory_space<vmem>>, vector<128x128xbf16>
    tpu.vector_store %arg11[%swap3A_496, %swap3A_497], %convert_element_type3A_495 {strides = array<i32>} : memref<128x8192xbf16, #tpu.memory_space<vmem>>, vector<128x128xbf16>,
    %mul3A_499 = arith.mulf %convert_element_type3A_118, %convert_element_type3A_156 : vector<128x2048xbf16>
    %dot_general3A_500 = arith.constant dense<0.000000e+00> : vector<128x128xf32>
    %dot_general3A_501 = tpu.matmul %mul3A_499, %get3A_213, %dot_general3A_500 {dimension_numbers = #tpu.dot_dimension_numbers<[1], [0], [0], [1], [0, 0, 1, 1], [], []>, transpose_lhs_hint = false} : vector<128x2048xbf16>, vector<2048x128xbf16>, vector<128x128xf32> -> vector<128x128xf32>
    %convert_element_type3A_502 = arith.truncf %dot_general3A_501 : vector<128x128xf32> to vector<128x128xbf16>
    %swap3A_503 = arith.constant 0 : index
    %swap3A_504 = arith.constant 5248 : index
    %swap3A_505 = vector.load %arg11[%swap3A_503, %swap3A_504] : memref<128x8192xbf16, #tpu.memory_space<vmem>>, vector<128x128xbf16>
    tpu.vector_store %arg11[%swap3A_503, %swap3A_504], %convert_element_type3A_502 {strides = array<i32>} : memref<128x8192xbf16, #tpu.memory_space<vmem>>, vector<128x128xbf16>,
    %mul3A_506 = arith.mulf %convert_element_type3A_118, %convert_element_type3A_165 : vector<128x2048xbf16>
    %dot_general3A_507 = arith.constant dense<0.000000e+00> : vector<128x128xf32>
    %dot_general3A_508 = tpu.matmul %mul3A_506, %get3A_213, %dot_general3A_507 {dimension_numbers = #tpu.dot_dimension_numbers<[1], [0], [0], [1], [0, 0, 1, 1], [], []>, transpose_lhs_hint = false} : vector<128x2048xbf16>, vector<2048x128xbf16>, vector<128x128xf32> -> vector<128x128xf32>
    %convert_element_type3A_509 = arith.truncf %dot_general3A_508 : vector<128x128xf32> to vector<128x128xbf16>
    %swap3A_510 = arith.constant 0 : index
    %swap3A_511 = arith.constant 5376 : index
    %swap3A_512 = vector.load %arg11[%swap3A_510, %swap3A_511] : memref<128x8192xbf16, #tpu.memory_space<vmem>>, vector<128x128xbf16>
    tpu.vector_store %arg11[%swap3A_510, %swap3A_511], %convert_element_type3A_509 {strides = array<i32>} : memref<128x8192xbf16, #tpu.memory_space<vmem>>, vector<128x128xbf16>,
    %mul3A_513 = arith.mulf %convert_element_type3A_118, %convert_element_type3A_174 : vector<128x2048xbf16>
    %dot_general3A_514 = arith.constant dense<0.000000e+00> : vector<128x128xf32>
    %dot_general3A_515 = tpu.matmul %mul3A_513, %get3A_213, %dot_general3A_514 {dimension_numbers = #tpu.dot_dimension_numbers<[1], [0], [0], [1], [0, 0, 1, 1], [], []>, transpose_lhs_hint = false} : vector<128x2048xbf16>, vector<2048x128xbf16>, vector<128x128xf32> -> vector<128x128xf32>
    %convert_element_type3A_516 = arith.truncf %dot_general3A_515 : vector<128x128xf32> to vector<128x128xbf16>
    %swap3A_517 = arith.constant 0 : index
    %swap3A_518 = arith.constant 5504 : index
    %swap3A_519 = vector.load %arg11[%swap3A_517, %swap3A_518] : memref<128x8192xbf16, #tpu.memory_space<vmem>>, vector<128x128xbf16>
    tpu.vector_store %arg11[%swap3A_517, %swap3A_518], %convert_element_type3A_516 {strides = array<i32>} : memref<128x8192xbf16, #tpu.memory_space<vmem>>, vector<128x128xbf16>,
    %mul3A_520 = arith.mulf %convert_element_type3A_118, %convert_element_type3A_183 : vector<128x2048xbf16>
    %dot_general3A_521 = arith.constant dense<0.000000e+00> : vector<128x128xf32>
    %dot_general3A_522 = tpu.matmul %mul3A_520, %get3A_213, %dot_general3A_521 {dimension_numbers = #tpu.dot_dimension_numbers<[1], [0], [0], [1], [0, 0, 1, 1], [], []>, transpose_lhs_hint = false} : vector<128x2048xbf16>, vector<2048x128xbf16>, vector<128x128xf32> -> vector<128x128xf32>
    %convert_element_type3A_523 = arith.truncf %dot_general3A_522 : vector<128x128xf32> to vector<128x128xbf16>
    %swap3A_524 = arith.constant 0 : index
    %swap3A_525 = arith.constant 5632 : index
    %swap3A_526 = vector.load %arg11[%swap3A_524, %swap3A_525] : memref<128x8192xbf16, #tpu.memory_space<vmem>>, vector<128x128xbf16>
    tpu.vector_store %arg11[%swap3A_524, %swap3A_525], %convert_element_type3A_523 {strides = array<i32>} : memref<128x8192xbf16, #tpu.memory_space<vmem>>, vector<128x128xbf16>,
    %mul3A_527 = arith.mulf %convert_element_type3A_118, %convert_element_type3A_192 : vector<128x2048xbf16>
    %dot_general3A_528 = arith.constant dense<0.000000e+00> : vector<128x128xf32>
    %dot_general3A_529 = tpu.matmul %mul3A_527, %get3A_213, %dot_general3A_528 {dimension_numbers = #tpu.dot_dimension_numbers<[1], [0], [0], [1], [0, 0, 1, 1], [], []>, transpose_lhs_hint = false} : vector<128x2048xbf16>, vector<2048x128xbf16>, vector<128x128xf32> -> vector<128x128xf32>
    %convert_element_type3A_530 = arith.truncf %dot_general3A_529 : vector<128x128xf32> to vector<128x128xbf16>
    %swap3A_531 = arith.constant 0 : index
    %swap3A_532 = arith.constant 5760 : index
    %swap3A_533 = vector.load %arg11[%swap3A_531, %swap3A_532] : memref<128x8192xbf16, #tpu.memory_space<vmem>>, vector<128x128xbf16>
    tpu.vector_store %arg11[%swap3A_531, %swap3A_532], %convert_element_type3A_530 {strides = array<i32>} : memref<128x8192xbf16, #tpu.memory_space<vmem>>, vector<128x128xbf16>,
    %mul3A_534 = arith.mulf %convert_element_type3A_118, %convert_element_type3A_201 : vector<128x2048xbf16>
    %dot_general3A_535 = arith.constant dense<0.000000e+00> : vector<128x128xf32>
    %dot_general3A_536 = tpu.matmul %mul3A_534, %get3A_213, %dot_general3A_535 {dimension_numbers = #tpu.dot_dimension_numbers<[1], [0], [0], [1], [0, 0, 1, 1], [], []>, transpose_lhs_hint = false} : vector<128x2048xbf16>, vector<2048x128xbf16>, vector<128x128xf32> -> vector<128x128xf32>
    %convert_element_type3A_537 = arith.truncf %dot_general3A_536 : vector<128x128xf32> to vector<128x128xbf16>
    %swap3A_538 = arith.constant 0 : index
    %swap3A_539 = arith.constant 5888 : index
    %swap3A_540 = vector.load %arg11[%swap3A_538, %swap3A_539] : memref<128x8192xbf16, #tpu.memory_space<vmem>>, vector<128x128xbf16>
    tpu.vector_store %arg11[%swap3A_538, %swap3A_539], %convert_element_type3A_537 {strides = array<i32>} : memref<128x8192xbf16, #tpu.memory_space<vmem>>, vector<128x128xbf16>,
    %mul3A_541 = arith.mulf %convert_element_type3A_118, %convert_element_type3A_210 : vector<128x2048xbf16>
    %dot_general3A_542 = arith.constant dense<0.000000e+00> : vector<128x128xf32>
    %dot_general3A_543 = tpu.matmul %mul3A_541, %get3A_213, %dot_general3A_542 {dimension_numbers = #tpu.dot_dimension_numbers<[1], [0], [0], [1], [0, 0, 1, 1], [], []>, transpose_lhs_hint = false} : vector<128x2048xbf16>, vector<2048x128xbf16>, vector<128x128xf32> -> vector<128x128xf32>
    %convert_element_type3A_544 = arith.truncf %dot_general3A_543 : vector<128x128xf32> to vector<128x128xbf16>
    %swap3A_545 = arith.constant 0 : index
    %swap3A_546 = arith.constant 6016 : index
    %swap3A_547 = vector.load %arg11[%swap3A_545, %swap3A_546] : memref<128x8192xbf16, #tpu.memory_space<vmem>>, vector<128x128xbf16>
    tpu.vector_store %arg11[%swap3A_545, %swap3A_546], %convert_element_type3A_544 {strides = array<i32>} : memref<128x8192xbf16, #tpu.memory_space<vmem>>, vector<128x128xbf16>,
    %mul3A_548 = arith.mulf %convert_element_type3A_128, %convert_element_type3A_147 : vector<128x2048xbf16>
    %dot_general3A_549 = arith.constant dense<0.000000e+00> : vector<128x128xf32>
    %dot_general3A_550 = tpu.matmul %mul3A_548, %get3A_213, %dot_general3A_549 {dimension_numbers = #tpu.dot_dimension_numbers<[1], [0], [0], [1], [0, 0, 1, 1], [], []>, transpose_lhs_hint = false} : vector<128x2048xbf16>, vector<2048x128xbf16>, vector<128x128xf32> -> vector<128x128xf32>
    %convert_element_type3A_551 = arith.truncf %dot_general3A_550 : vector<128x128xf32> to vector<128x128xbf16>
    %swap3A_552 = arith.constant 0 : index
    %swap3A_553 = arith.constant 6144 : index
    %swap3A_554 = vector.load %arg11[%swap3A_552, %swap3A_553] : memref<128x8192xbf16, #tpu.memory_space<vmem>>, vector<128x128xbf16>
    tpu.vector_store %arg11[%swap3A_552, %swap3A_553], %convert_element_type3A_551 {strides = array<i32>} : memref<128x8192xbf16, #tpu.memory_space<vmem>>, vector<128x128xbf16>,
    %mul3A_555 = arith.mulf %convert_element_type3A_128, %convert_element_type3A_156 : vector<128x2048xbf16>
    %dot_general3A_556 = arith.constant dense<0.000000e+00> : vector<128x128xf32>
    %dot_general3A_557 = tpu.matmul %mul3A_555, %get3A_213, %dot_general3A_556 {dimension_numbers = #tpu.dot_dimension_numbers<[1], [0], [0], [1], [0, 0, 1, 1], [], []>, transpose_lhs_hint = false} : vector<128x2048xbf16>, vector<2048x128xbf16>, vector<128x128xf32> -> vector<128x128xf32>
    %convert_element_type3A_558 = arith.truncf %dot_general3A_557 : vector<128x128xf32> to vector<128x128xbf16>
    %swap3A_559 = arith.constant 0 : index
    %swap3A_560 = arith.constant 6272 : index
    %swap3A_561 = vector.load %arg11[%swap3A_559, %swap3A_560] : memref<128x8192xbf16, #tpu.memory_space<vmem>>, vector<128x128xbf16>
    tpu.vector_store %arg11[%swap3A_559, %swap3A_560], %convert_element_type3A_558 {strides = array<i32>} : memref<128x8192xbf16, #tpu.memory_space<vmem>>, vector<128x128xbf16>,
    %mul3A_562 = arith.mulf %convert_element_type3A_128, %convert_element_type3A_165 : vector<128x2048xbf16>
    %dot_general3A_563 = arith.constant dense<0.000000e+00> : vector<128x128xf32>
    %dot_general3A_564 = tpu.matmul %mul3A_562, %get3A_213, %dot_general3A_563 {dimension_numbers = #tpu.dot_dimension_numbers<[1], [0], [0], [1], [0, 0, 1, 1], [], []>, transpose_lhs_hint = false} : vector<128x2048xbf16>, vector<2048x128xbf16>, vector<128x128xf32> -> vector<128x128xf32>
    %convert_element_type3A_565 = arith.truncf %dot_general3A_564 : vector<128x128xf32> to vector<128x128xbf16>
    %swap3A_566 = arith.constant 0 : index
    %swap3A_567 = arith.constant 6400 : index
    %swap3A_568 = vector.load %arg11[%swap3A_566, %swap3A_567] : memref<128x8192xbf16, #tpu.memory_space<vmem>>, vector<128x128xbf16>
    tpu.vector_store %arg11[%swap3A_566, %swap3A_567], %convert_element_type3A_565 {strides = array<i32>} : memref<128x8192xbf16, #tpu.memory_space<vmem>>, vector<128x128xbf16>,
    %mul3A_569 = arith.mulf %convert_element_type3A_128, %convert_element_type3A_174 : vector<128x2048xbf16>
    %dot_general3A_570 = arith.constant dense<0.000000e+00> : vector<128x128xf32>
    %dot_general3A_571 = tpu.matmul %mul3A_569, %get3A_213, %dot_general3A_570 {dimension_numbers = #tpu.dot_dimension_numbers<[1], [0], [0], [1], [0, 0, 1, 1], [], []>, transpose_lhs_hint = false} : vector<128x2048xbf16>, vector<2048x128xbf16>, vector<128x128xf32> -> vector<128x128xf32>
    %convert_element_type3A_572 = arith.truncf %dot_general3A_571 : vector<128x128xf32> to vector<128x128xbf16>
    %swap3A_573 = arith.constant 0 : index
    %swap3A_574 = arith.constant 6528 : index
    %swap3A_575 = vector.load %arg11[%swap3A_573, %swap3A_574] : memref<128x8192xbf16, #tpu.memory_space<vmem>>, vector<128x128xbf16>
    tpu.vector_store %arg11[%swap3A_573, %swap3A_574], %convert_element_type3A_572 {strides = array<i32>} : memref<128x8192xbf16, #tpu.memory_space<vmem>>, vector<128x128xbf16>,
    %mul3A_576 = arith.mulf %convert_element_type3A_128, %convert_element_type3A_183 : vector<128x2048xbf16>
    %dot_general3A_577 = arith.constant dense<0.000000e+00> : vector<128x128xf32>
    %dot_general3A_578 = tpu.matmul %mul3A_576, %get3A_213, %dot_general3A_577 {dimension_numbers = #tpu.dot_dimension_numbers<[1], [0], [0], [1], [0, 0, 1, 1], [], []>, transpose_lhs_hint = false} : vector<128x2048xbf16>, vector<2048x128xbf16>, vector<128x128xf32> -> vector<128x128xf32>
    %convert_element_type3A_579 = arith.truncf %dot_general3A_578 : vector<128x128xf32> to vector<128x128xbf16>
    %swap3A_580 = arith.constant 0 : index
    %swap3A_581 = arith.constant 6656 : index
    %swap3A_582 = vector.load %arg11[%swap3A_580, %swap3A_581] : memref<128x8192xbf16, #tpu.memory_space<vmem>>, vector<128x128xbf16>
    tpu.vector_store %arg11[%swap3A_580, %swap3A_581], %convert_element_type3A_579 {strides = array<i32>} : memref<128x8192xbf16, #tpu.memory_space<vmem>>, vector<128x128xbf16>,
    %mul3A_583 = arith.mulf %convert_element_type3A_128, %convert_element_type3A_192 : vector<128x2048xbf16>
    %dot_general3A_584 = arith.constant dense<0.000000e+00> : vector<128x128xf32>
    %dot_general3A_585 = tpu.matmul %mul3A_583, %get3A_213, %dot_general3A_584 {dimension_numbers = #tpu.dot_dimension_numbers<[1], [0], [0], [1], [0, 0, 1, 1], [], []>, transpose_lhs_hint = false} : vector<128x2048xbf16>, vector<2048x128xbf16>, vector<128x128xf32> -> vector<128x128xf32>
    %convert_element_type3A_586 = arith.truncf %dot_general3A_585 : vector<128x128xf32> to vector<128x128xbf16>
    %swap3A_587 = arith.constant 0 : index
    %swap3A_588 = arith.constant 6784 : index
    %swap3A_589 = vector.load %arg11[%swap3A_587, %swap3A_588] : memref<128x8192xbf16, #tpu.memory_space<vmem>>, vector<128x128xbf16>
    tpu.vector_store %arg11[%swap3A_587, %swap3A_588], %convert_element_type3A_586 {strides = array<i32>} : memref<128x8192xbf16, #tpu.memory_space<vmem>>, vector<128x128xbf16>,
    %mul3A_590 = arith.mulf %convert_element_type3A_128, %convert_element_type3A_201 : vector<128x2048xbf16>
    %dot_general3A_591 = arith.constant dense<0.000000e+00> : vector<128x128xf32>
    %dot_general3A_592 = tpu.matmul %mul3A_590, %get3A_213, %dot_general3A_591 {dimension_numbers = #tpu.dot_dimension_numbers<[1], [0], [0], [1], [0, 0, 1, 1], [], []>, transpose_lhs_hint = false} : vector<128x2048xbf16>, vector<2048x128xbf16>, vector<128x128xf32> -> vector<128x128xf32>
    %convert_element_type3A_593 = arith.truncf %dot_general3A_592 : vector<128x128xf32> to vector<128x128xbf16>
    %swap3A_594 = arith.constant 0 : index
    %swap3A_595 = arith.constant 6912 : index
    %swap3A_596 = vector.load %arg11[%swap3A_594, %swap3A_595] : memref<128x8192xbf16, #tpu.memory_space<vmem>>, vector<128x128xbf16>
    tpu.vector_store %arg11[%swap3A_594, %swap3A_595], %convert_element_type3A_593 {strides = array<i32>} : memref<128x8192xbf16, #tpu.memory_space<vmem>>, vector<128x128xbf16>,
    %mul3A_597 = arith.mulf %convert_element_type3A_128, %convert_element_type3A_210 : vector<128x2048xbf16>
    %dot_general3A_598 = arith.constant dense<0.000000e+00> : vector<128x128xf32>
    %dot_general3A_599 = tpu.matmul %mul3A_597, %get3A_213, %dot_general3A_598 {dimension_numbers = #tpu.dot_dimension_numbers<[1], [0], [0], [1], [0, 0, 1, 1], [], []>, transpose_lhs_hint = false} : vector<128x2048xbf16>, vector<2048x128xbf16>, vector<128x128xf32> -> vector<128x128xf32>
    %convert_element_type3A_600 = arith.truncf %dot_general3A_599 : vector<128x128xf32> to vector<128x128xbf16>
    %swap3A_601 = arith.constant 0 : index
    %swap3A_602 = arith.constant 7040 : index
    %swap3A_603 = vector.load %arg11[%swap3A_601, %swap3A_602] : memref<128x8192xbf16, #tpu.memory_space<vmem>>, vector<128x128xbf16>
    tpu.vector_store %arg11[%swap3A_601, %swap3A_602], %convert_element_type3A_600 {strides = array<i32>} : memref<128x8192xbf16, #tpu.memory_space<vmem>>, vector<128x128xbf16>,
    %mul3A_604 = arith.mulf %convert_element_type3A_138, %convert_element_type3A_147 : vector<128x2048xbf16>
    %dot_general3A_605 = arith.constant dense<0.000000e+00> : vector<128x128xf32>
    %dot_general3A_606 = tpu.matmul %mul3A_604, %get3A_213, %dot_general3A_605 {dimension_numbers = #tpu.dot_dimension_numbers<[1], [0], [0], [1], [0, 0, 1, 1], [], []>, transpose_lhs_hint = false} : vector<128x2048xbf16>, vector<2048x128xbf16>, vector<128x128xf32> -> vector<128x128xf32>
    %convert_element_type3A_607 = arith.truncf %dot_general3A_606 : vector<128x128xf32> to vector<128x128xbf16>
    %swap3A_608 = arith.constant 0 : index
    %swap3A_609 = arith.constant 7168 : index
    %swap3A_610 = vector.load %arg11[%swap3A_608, %swap3A_609] : memref<128x8192xbf16, #tpu.memory_space<vmem>>, vector<128x128xbf16>
    tpu.vector_store %arg11[%swap3A_608, %swap3A_609], %convert_element_type3A_607 {strides = array<i32>} : memref<128x8192xbf16, #tpu.memory_space<vmem>>, vector<128x128xbf16>,
    %mul3A_611 = arith.mulf %convert_element_type3A_138, %convert_element_type3A_156 : vector<128x2048xbf16>
    %dot_general3A_612 = arith.constant dense<0.000000e+00> : vector<128x128xf32>
    %dot_general3A_613 = tpu.matmul %mul3A_611, %get3A_213, %dot_general3A_612 {dimension_numbers = #tpu.dot_dimension_numbers<[1], [0], [0], [1], [0, 0, 1, 1], [], []>, transpose_lhs_hint = false} : vector<128x2048xbf16>, vector<2048x128xbf16>, vector<128x128xf32> -> vector<128x128xf32>
    %convert_element_type3A_614 = arith.truncf %dot_general3A_613 : vector<128x128xf32> to vector<128x128xbf16>
    %swap3A_615 = arith.constant 0 : index
    %swap3A_616 = arith.constant 7296 : index
    %swap3A_617 = vector.load %arg11[%swap3A_615, %swap3A_616] : memref<128x8192xbf16, #tpu.memory_space<vmem>>, vector<128x128xbf16>
    tpu.vector_store %arg11[%swap3A_615, %swap3A_616], %convert_element_type3A_614 {strides = array<i32>} : memref<128x8192xbf16, #tpu.memory_space<vmem>>, vector<128x128xbf16>,
    %mul3A_618 = arith.mulf %convert_element_type3A_138, %convert_element_type3A_165 : vector<128x2048xbf16>
    %dot_general3A_619 = arith.constant dense<0.000000e+00> : vector<128x128xf32>
    %dot_general3A_620 = tpu.matmul %mul3A_618, %get3A_213, %dot_general3A_619 {dimension_numbers = #tpu.dot_dimension_numbers<[1], [0], [0], [1], [0, 0, 1, 1], [], []>, transpose_lhs_hint = false} : vector<128x2048xbf16>, vector<2048x128xbf16>, vector<128x128xf32> -> vector<128x128xf32>
    %convert_element_type3A_621 = arith.truncf %dot_general3A_620 : vector<128x128xf32> to vector<128x128xbf16>
    %swap3A_622 = arith.constant 0 : index
    %swap3A_623 = arith.constant 7424 : index
    %swap3A_624 = vector.load %arg11[%swap3A_622, %swap3A_623] : memref<128x8192xbf16, #tpu.memory_space<vmem>>, vector<128x128xbf16>
    tpu.vector_store %arg11[%swap3A_622, %swap3A_623], %convert_element_type3A_621 {strides = array<i32>} : memref<128x8192xbf16, #tpu.memory_space<vmem>>, vector<128x128xbf16>,
    %mul3A_625 = arith.mulf %convert_element_type3A_138, %convert_element_type3A_174 : vector<128x2048xbf16>
    %dot_general3A_626 = arith.constant dense<0.000000e+00> : vector<128x128xf32>
    %dot_general3A_627 = tpu.matmul %mul3A_625, %get3A_213, %dot_general3A_626 {dimension_numbers = #tpu.dot_dimension_numbers<[1], [0], [0], [1], [0, 0, 1, 1], [], []>, transpose_lhs_hint = false} : vector<128x2048xbf16>, vector<2048x128xbf16>, vector<128x128xf32> -> vector<128x128xf32>
    %convert_element_type3A_628 = arith.truncf %dot_general3A_627 : vector<128x128xf32> to vector<128x128xbf16>
    %swap3A_629 = arith.constant 0 : index
    %swap3A_630 = arith.constant 7552 : index
    %swap3A_631 = vector.load %arg11[%swap3A_629, %swap3A_630] : memref<128x8192xbf16, #tpu.memory_space<vmem>>, vector<128x128xbf16>
    tpu.vector_store %arg11[%swap3A_629, %swap3A_630], %convert_element_type3A_628 {strides = array<i32>} : memref<128x8192xbf16, #tpu.memory_space<vmem>>, vector<128x128xbf16>,
    %mul3A_632 = arith.mulf %convert_element_type3A_138, %convert_element_type3A_183 : vector<128x2048xbf16>
    %dot_general3A_633 = arith.constant dense<0.000000e+00> : vector<128x128xf32>
    %dot_general3A_634 = tpu.matmul %mul3A_632, %get3A_213, %dot_general3A_633 {dimension_numbers = #tpu.dot_dimension_numbers<[1], [0], [0], [1], [0, 0, 1, 1], [], []>, transpose_lhs_hint = false} : vector<128x2048xbf16>, vector<2048x128xbf16>, vector<128x128xf32> -> vector<128x128xf32>
    %convert_element_type3A_635 = arith.truncf %dot_general3A_634 : vector<128x128xf32> to vector<128x128xbf16>
    %swap3A_636 = arith.constant 0 : index
    %swap3A_637 = arith.constant 7680 : index
    %swap3A_638 = vector.load %arg11[%swap3A_636, %swap3A_637] : memref<128x8192xbf16, #tpu.memory_space<vmem>>, vector<128x128xbf16>
    tpu.vector_store %arg11[%swap3A_636, %swap3A_637], %convert_element_type3A_635 {strides = array<i32>} : memref<128x8192xbf16, #tpu.memory_space<vmem>>, vector<128x128xbf16>,
    %mul3A_639 = arith.mulf %convert_element_type3A_138, %convert_element_type3A_192 : vector<128x2048xbf16>
    %dot_general3A_640 = arith.constant dense<0.000000e+00> : vector<128x128xf32>
    %dot_general3A_641 = tpu.matmul %mul3A_639, %get3A_213, %dot_general3A_640 {dimension_numbers = #tpu.dot_dimension_numbers<[1], [0], [0], [1], [0, 0, 1, 1], [], []>, transpose_lhs_hint = false} : vector<128x2048xbf16>, vector<2048x128xbf16>, vector<128x128xf32> -> vector<128x128xf32>
    %convert_element_type3A_642 = arith.truncf %dot_general3A_641 : vector<128x128xf32> to vector<128x128xbf16>
    %swap3A_643 = arith.constant 0 : index
    %swap3A_644 = arith.constant 7808 : index
    %swap3A_645 = vector.load %arg11[%swap3A_643, %swap3A_644] : memref<128x8192xbf16, #tpu.memory_space<vmem>>, vector<128x128xbf16>
    tpu.vector_store %arg11[%swap3A_643, %swap3A_644], %convert_element_type3A_642 {strides = array<i32>} : memref<128x8192xbf16, #tpu.memory_space<vmem>>, vector<128x128xbf16>,
    %mul3A_646 = arith.mulf %convert_element_type3A_138, %convert_element_type3A_201 : vector<128x2048xbf16>
    %dot_general3A_647 = arith.constant dense<0.000000e+00> : vector<128x128xf32>
    %dot_general3A_648 = tpu.matmul %mul3A_646, %get3A_213, %dot_general3A_647 {dimension_numbers = #tpu.dot_dimension_numbers<[1], [0], [0], [1], [0, 0, 1, 1], [], []>, transpose_lhs_hint = false} : vector<128x2048xbf16>, vector<2048x128xbf16>, vector<128x128xf32> -> vector<128x128xf32>
    %convert_element_type3A_649 = arith.truncf %dot_general3A_648 : vector<128x128xf32> to vector<128x128xbf16>
    %swap3A_650 = arith.constant 0 : index
    %swap3A_651 = arith.constant 7936 : index
    %swap3A_652 = vector.load %arg11[%swap3A_650, %swap3A_651] : memref<128x8192xbf16, #tpu.memory_space<vmem>>, vector<128x128xbf16>
    tpu.vector_store %arg11[%swap3A_650, %swap3A_651], %convert_element_type3A_649 {strides = array<i32>} : memref<128x8192xbf16, #tpu.memory_space<vmem>>, vector<128x128xbf16>,
    %mul3A_653 = arith.mulf %convert_element_type3A_138, %convert_element_type3A_210 : vector<128x2048xbf16>
    %dot_general3A_654 = arith.constant dense<0.000000e+00> : vector<128x128xf32>
    %dot_general3A_655 = tpu.matmul %mul3A_653, %get3A_213, %dot_general3A_654 {dimension_numbers = #tpu.dot_dimension_numbers<[1], [0], [0], [1], [0, 0, 1, 1], [], []>, transpose_lhs_hint = false} : vector<128x2048xbf16>, vector<2048x128xbf16>, vector<128x128xf32> -> vector<128x128xf32>
    %convert_element_type3A_656 = arith.truncf %dot_general3A_655 : vector<128x128xf32> to vector<128x128xbf16>
    %swap3A_657 = arith.constant 0 : index
    %swap3A_658 = arith.constant 8064 : index
    %swap3A_659 = vector.load %arg11[%swap3A_657, %swap3A_658] : memref<128x8192xbf16, #tpu.memory_space<vmem>>, vector<128x128xbf16>
    tpu.vector_store %arg11[%swap3A_657, %swap3A_658], %convert_element_type3A_656 {strides = array<i32>} : memref<128x8192xbf16, #tpu.memory_space<vmem>>, vector<128x128xbf16>,
    %get3A_660 = arith.constant 0 : index
    %get3A_661 = arith.constant 0 : index
    %get3A_662 = vector.load %arg11[%get3A_660, %get3A_661] : memref<128x8192xbf16, #tpu.memory_space<vmem>>, vector<128x8192xbf16>
    %get3A_663 = arith.constant 0 : index
    %get3A_664 = arith.constant 0 : index
    %get3A_665 = vector.load %arg8[%get3A_663, %get3A_664] : memref<8192x128xbf16, #tpu.memory_space<vmem>>, vector<8192x128xbf16>
    %dot_general3A_666 = arith.constant dense<0.000000e+00> : vector<128x128xf32>
    %dot_general3A_667 = tpu.matmul %get3A_662, %get3A_665, %dot_general3A_666 {dimension_numbers = #tpu.dot_dimension_numbers<[1], [0], [0], [1], [0, 0, 1, 1], [], []>, transpose_lhs_hint = false} : vector<128x8192xbf16>, vector<8192x128xbf16>, vector<128x128xf32> -> vector<128x128xf32>
    %get3A_668 = arith.constant 0 : index
    %get3A_669 = arith.constant 0 : index
    %get3A_670 = vector.load %arg9[%get3A_668, %get3A_669] : memref<1x128xf32, #tpu.memory_space<vmem>>, vector<1x128xf32>
    %add3A_671 = vector.broadcast %get3A_670 : vector<1x128xf32> to vector<128x128xf32>
    %add3A_672 = arith.addf %dot_general3A_667, %add3A_671 : vector<128x128xf32>
    %mul3A_673 = vector.broadcast %get3A_9 : vector<128x1xf32> to vector<128x128xf32>
    %mul3A_674 = arith.mulf %add3A_672, %mul3A_673 : vector<128x128xf32>
    %swap3A_675 = arith.constant 0 : index
    %swap3A_676 = arith.constant 0 : index
    %swap3A_677 = vector.load %arg10[%swap3A_675, %swap3A_676] : memref<128x128xf32, #tpu.memory_space<vmem>>, vector<128x128xf32>
    tpu.vector_store %arg10[%swap3A_675, %swap3A_676], %mul3A_674 {strides = array<i32>} : memref<128x128xf32, #tpu.memory_space<vmem>>, vector<128x128xf32>,
    return
  }
  func.func @transform_0(%arg0: i32) -> (i32, i32) {
    %c0_i32 = arith.constant 0 : i32
    %c0_i32_0 = arith.constant 0 : i32
    %c0_i32_1 = arith.constant 0 : i32
    return %c0_i32, %c0_i32_0 : i32, i32
  }
  func.func @transform_1(%arg0: i32) -> (i32, i32) {
    %c0_i32 = arith.constant 0 : i32
    %c0_i32_0 = arith.constant 0 : i32
    %c0_i32_1 = arith.constant 0 : i32
    return %c0_i32, %c0_i32_0 : i32, i32
  }
  func.func @transform_2(%arg0: i32) -> (i32, i32) {
    %c0_i32 = arith.constant 0 : i32
    %c0_i32_0 = arith.constant 0 : i32
    %c0_i32_1 = arith.constant 0 : i32
    return %c0_i32, %c0_i32_0 : i32, i32
  }
  func.func @transform_3(%arg0: i32) -> (i32, i32) {
    %c0_i32 = arith.constant 0 : i32
    %c0_i32_0 = arith.constant 0 : i32
    %c0_i32_1 = arith.constant 0 : i32
    return %c0_i32, %c0_i32_0 : i32, i32
  }
  func.func @transform_4(%arg0: i32) -> (i32, i32) {
    %c0_i32 = arith.constant 0 : i32
    %c0_i32_0 = arith.constant 0 : i32
    %c0_i32_1 = arith.constant 0 : i32
    return %c0_i32, %c0_i32_0 : i32, i32
  }
  func.func @transform_5(%arg0: i32) -> (i32, i32) {
    %c0_i32 = arith.constant 0 : i32
    %c0_i32_0 = arith.constant 0 : i32
    %c0_i32_1 = arith.constant 0 : i32
    return %c0_i32, %c0_i32_0 : i32, i32
  }
  func.func @transform_6(%arg0: i32) -> (i32, i32) {
    %c0_i32 = arith.constant 0 : i32
    %c0_i32_0 = arith.constant 0 : i32
    %c0_i32_1 = arith.constant 0 : i32
    return %c0_i32, %c0_i32_0 : i32, i32
  }
  func.func @transform_7(%arg0: i32) -> (i32, i32) {
    %c0_i32 = arith.constant 0 : i32
    %c0_i32_0 = arith.constant 0 : i32
    %c0_i32_1 = arith.constant 0 : i32
    return %c0_i32, %c0_i32_0 : i32, i32
  }
  func.func @transform_8(%arg0: i32) -> (i32, i32) {
    %c0_i32 = arith.constant 0 : i32
    %c0_i32_0 = arith.constant 0 : i32
    %c0_i32_1 = arith.constant 0 : i32
    return %c0_i32, %c0_i32_0 : i32, i32
  }
  func.func @transform_9(%arg0: i32) -> (i32, i32) {
    %c0_i32 = arith.constant 0 : i32
    %c0_i32_0 = arith.constant 0 : i32
    return %arg0, %c0_i32 : i32, i32
  }
}

module attributes {stable_mosaic.version = 14 : i64} {
  func.func @_mm_body(%arg0: i32, %arg1: memref<128x8192xf32, #tpu.memory_space<vmem>>, %arg2: memref<8192x128xbf16, #tpu.memory_space<vmem>>, %arg3: memref<1x128xf32, #tpu.memory_space<vmem>>, %arg4: memref<128x1xf32, #tpu.memory_space<vmem>>, %arg5: memref<128x128xf32, #tpu.memory_space<vmem>>) attributes {dimension_semantics = [#tpu.dimension_semantics<arbitrary>], iteration_bounds = array<i64: 1>, scalar_prefetch = 0 : i64, scratch_operands = 0 : i64, tpu.core_type = #tpu.core_type<tc>, window_params = [{transform_indices = @transform_0, window_bounds = array<i64: 128, 8192>}, {pipeline_mode = #tpu.pipeline_mode<synchronous>, transform_indices = @transform_1, window_bounds = array<i64: 8192, 128>}, {pipeline_mode = #tpu.pipeline_mode<synchronous>, transform_indices = @transform_2, window_bounds = array<i64: 1, 128>}, {transform_indices = @transform_3, window_bounds = array<i64: 128, 1>}, {transform_indices = @transform_4, window_bounds = array<i64: 128, 128>}]} {
    %get3A = arith.constant 0 : index
    %get3A_0 = arith.constant 0 : index
    %get3A_1 = vector.load %arg1[%get3A, %get3A_0] : memref<128x8192xf32, #tpu.memory_space<vmem>>, vector<128x8192xf32>
    %convert_element_type3A = arith.truncf %get3A_1 : vector<128x8192xf32> to vector<128x8192xbf16>
    %get3A_2 = arith.constant 0 : index
    %get3A_3 = arith.constant 0 : index
    %get3A_4 = vector.load %arg2[%get3A_2, %get3A_3] : memref<8192x128xbf16, #tpu.memory_space<vmem>>, vector<8192x128xbf16>
    %dot_general3A = arith.constant dense<0.000000e+00> : vector<128x128xf32>
    %dot_general3A_5 = tpu.matmul %convert_element_type3A, %get3A_4, %dot_general3A {dimension_numbers = #tpu.dot_dimension_numbers<[1], [0], [0], [1], [0, 0, 1, 1], [], []>, transpose_lhs_hint = false} : vector<128x8192xbf16>, vector<8192x128xbf16>, vector<128x128xf32> -> vector<128x128xf32>
    %get3A_6 = arith.constant 0 : index
    %get3A_7 = arith.constant 0 : index
    %get3A_8 = vector.load %arg3[%get3A_6, %get3A_7] : memref<1x128xf32, #tpu.memory_space<vmem>>, vector<1x128xf32>
    %add3A = vector.broadcast %get3A_8 : vector<1x128xf32> to vector<128x128xf32>
    %add3A_9 = arith.addf %dot_general3A_5, %add3A : vector<128x128xf32>
    %get3A_10 = arith.constant 0 : index
    %get3A_11 = arith.constant 0 : index
    %get3A_12 = vector.load %arg4[%get3A_10, %get3A_11] : memref<128x1xf32, #tpu.memory_space<vmem>>, vector<128x1xf32>
    %mul3A = vector.broadcast %get3A_12 : vector<128x1xf32> to vector<128x128xf32>
    %mul3A_13 = arith.mulf %add3A_9, %mul3A : vector<128x128xf32>
    %swap3A = arith.constant 0 : index
    %swap3A_14 = arith.constant 0 : index
    %swap3A_15 = vector.load %arg5[%swap3A, %swap3A_14] : memref<128x128xf32, #tpu.memory_space<vmem>>, vector<128x128xf32>
    tpu.vector_store %arg5[%swap3A, %swap3A_14], %mul3A_13 {strides = array<i32>} : memref<128x128xf32, #tpu.memory_space<vmem>>, vector<128x128xf32>,
    return
  }
  func.func @transform_0(%arg0: i32) -> (i32, i32) {
    %c0_i32 = arith.constant 0 : i32
    %c0_i32_0 = arith.constant 0 : i32
    return %arg0, %c0_i32 : i32, i32
  }
  func.func @transform_1(%arg0: i32) -> (i32, i32) {
    %c0_i32 = arith.constant 0 : i32
    %c0_i32_0 = arith.constant 0 : i32
    %c0_i32_1 = arith.constant 0 : i32
    return %c0_i32, %c0_i32_0 : i32, i32
  }
  func.func @transform_2(%arg0: i32) -> (i32, i32) {
    %c0_i32 = arith.constant 0 : i32
    %c0_i32_0 = arith.constant 0 : i32
    %c0_i32_1 = arith.constant 0 : i32
    return %c0_i32, %c0_i32_0 : i32, i32
  }
  func.func @transform_3(%arg0: i32) -> (i32, i32) {
    %c0_i32 = arith.constant 0 : i32
    %c0_i32_0 = arith.constant 0 : i32
    return %arg0, %c0_i32 : i32, i32
  }
  func.func @transform_4(%arg0: i32) -> (i32, i32) {
    %c0_i32 = arith.constant 0 : i32
    %c0_i32_0 = arith.constant 0 : i32
    return %arg0, %c0_i32 : i32, i32
  }
}

</mosaic_0001>

<sc_bundles>
// kernel: kernel.5.cloned.1.call-start
scs
__scs_entry_jumppad:
0x0: {  	(pc) =	sbr.rel $0x88, $3  }
0x1: {  	(tag) =	ssettag $0x0;
	lr =	simm.s32 $0x1  }
0x2: {  	[smem:$0x3F9C] =	sst lr;
	_ =	strace $0xD0000000  }
0x3: {  	_ = 	snop  }
0x4: {  	_ = 	snop  }
0x5: {  	_ = 	snop  }
0x6: {  	_ = 	snop  }
0x7: {  	_ = 	snop  }
__scs_overlays_trampoline_lowered:
0x8: {  	[smem:$0x3FAB] =	sst s0  }
0x9: {  	[smem:$0x3FAC] =	sst s1  }
0xa: {  	[smem:$0x3FAD] =	sst s2  }
0xb: {  	[smem:$0x3FAE] =	sst s3  }
0xc: {  	[smem:$0x3FAF] =	sst s4  }
0xd: {  	[smem:$0x3FB0] =	sst s5  }
0xe: {  	[smem:$0x3FB1] =	sst s6  }
0xf: {  	[smem:$0x3FB2] =	sst s7  }
0x10: {  	[smem:$0x3FB3] =	sst s8  }
0x11: {  	[smem:$0x3FB4] =	sst s9;
	s0 =	simm.s32 @!p0 $0x0  }
0x12: {  	s1 =	sld [smem:$0x3F9A];
	s0 =	simm.s32 @p0 $0x1  }
0x13: {  	[smem:$0x3FB5] =	sst s0;
	s0 =	simm.s32 @!p1 $0x0  }
0x14: {  	s2 =	sld [smem:$0x3F99];
	s0 =	simm.s32 @p1 $0x1  }
0x15: {  	[smem:$0x3FB6] =	sst s0;
	s0 =	simm.s32 @!p2 $0x0  }
0x16: {  	s3 =	sld [smem:$0x3FDB];
	s0 =	simm.s32 @p2 $0x1  }
0x17: {  	s4 =	simm.s32 $0x1BF5;
	[smem:$0x3FB8] =	sst s0  }
0x18: {  	s0 =	sld [smem:$0x3F9B];
	_ =	swait.ge [sflag:s4], $0x0  }
0x19: {  	s7 =	sld [smem:$0x3F9C]  }
0x1a: {  	s8 =	sadd.s32 $0xFFFFE003, lr  }
0x1b: {  	s9 =	sadd.s32 $0xFFFFFEF7, lr;
	s5 =	simm.s32 $0xFFFFFFFF;
	p2 =	slt.u32 s8, $0xFFFFF086  }
0x1c: {  	p1 =	slt.u32 s9, $0xF7A;
	s5 =	simm.s32 @!p2 $0x0  }
0x1d: {  	s5 =	simm.s32 @p1 $0x1;
	p0 =	seq.s32 s7, s2  }
0x1e: {  	s7 =	smul.u32 @!p0 $0xF7A, s2;
	p2 =	seq.s32 @!p0 s5, $0x0  }
0x1f: {  	s9 =	smul.u32 $0xF7A, s1;
	s8 =	simm.s32 @!p0 $0x1BF5;
	p2 =	por !p2, p0  }
0x20: {  	[sflag:s8] =	ssyncset.s32 @!p0 $0xFFFFF086;
	s6 =	sadd.s32 @!p0 s3, s7;
	s7 =	simm.s32 @!p0 $0x108  }
0x21: {  	s3 =	sadd.s32 s3, s9;
	s6 =	sadd.s32 @!p0 $0x88, s6;
	s7 =	simm.s32 @p2 $0x1082  }
0x22: {  	[simem:s7], [sflag:s8] =	dma.local @!p0 [hbm:s6], $0xF7A  }
0x23: {  	s9 =	sor.u32 $0xD0000000, s2;
	s6 =	simm.s32 $0x108;
	_ =	swait.ge @!p0 [sflag:s8], $0x0  }
0x24: {  	s3 =	sadd.s32 $0x88, s3;
	s6 =	simm.s32 @!p1 $0x1082;
	[sflag:s4] =	ssyncset.s32 $0xFFFFF086  }
0x25: {  	[simem:s6], [sflag:s4] =	dma.local [hbm:s3], $0xF7A  }
0x26: {  	[smem:$0x3F9C] =	sst s1;
	(tag) =	ssettag s2;
	_ =	strace s9  }
0x27: {  	s1 =	sld [smem:$0x3FAC]  }
0x28: {  	s2 =	sld [smem:$0x3FAD]  }
0x29: {  	s4 =	sld [smem:$0x3FAF]  }
0x2a: {  	p0 =	seq.s32 s5, $0x0;
	s5 =	sld [smem:$0x3FB0]  }
0x2b: {  	s6 =	sld [smem:$0x3FB1]  }
0x2c: {  	s7 =	sld [smem:$0x3FB2]  }
0x2d: {  	s3 =	simm.s32 $0x108;
	s8 =	sld [smem:$0x3FB3]  }
0x2e: {  	s3 =	simm.s32 @!p0 $0x1082;
	s9 =	sld [smem:$0x3FB4]  }
0x2f: {  	lr =	sadd.s32 s0, s3;
	s0 =	sld [smem:$0x3FAB]  }
0x30: {  	s3 =	sld [smem:$0x3FAE]  }
0x31: {  	[smem:$0x3FB7] =	sst s10  }
0x32: {  	s10 =	sld [smem:$0x3FB5];
	_ =	sdelay $0x3  }
0x33: {  	p0 =	seq.s32 s10, $0x1;
	s10 =	sld [smem:$0x3FB7];
	_ =	sdelay $0x3  }
0x34: {  	[smem:$0x3FB7] =	sst s10  }
0x35: {  	s10 =	sld [smem:$0x3FB6];
	_ =	sdelay $0x3  }
0x36: {  	p1 =	seq.s32 s10, $0x1;
	s10 =	sld [smem:$0x3FB7];
	_ =	sdelay $0x3  }
0x37: {  	[smem:$0x3FB7] =	sst s10  }
0x38: {  	s10 =	sld [smem:$0x3FB8]  }
0x39: {  	_ = 	snop;
	(pc) =	sbr.ind lr, $3  }
0x3a: {  	_ = 	snop  }
0x3b: {  	_ = 	snop  }
0x3c: {  	p2 =	seq.s32 s10, $0x1;
	s10 =	sld [smem:$0x3FB7]  }
0x3d: {  	_ =	shalt  }
0x3e: {  	_ =	shalt  }
0x3f: {  	_ =	shalt  }
0x40: {  	_ =	shalt  }
0x41: {  	_ =	shalt  }
0x42: {  	_ =	shalt  }
0x43: {  	_ =	shalt  }
0x44: {  	_ =	shalt  }
0x45: {  	_ =	shalt  }
0x46: {  	_ =	shalt  }
0x47: {  	_ =	shalt  }
0x48: {  	_ =	shalt  }
0x49: {  	_ =	shalt  }
0x4a: {  	_ =	shalt  }
0x4b: {  	_ =	shalt  }
0x4c: {  	_ =	shalt  }
0x4d: {  	_ =	shalt  }
0x4e: {  	_ =	shalt  }
0x4f: {  	_ =	shalt  }
0x50: {  	_ =	shalt  }
0x51: {  	_ =	shalt  }
0x52: {  	_ =	shalt  }
0x53: {  	_ =	shalt  }
0x54: {  	_ =	shalt  }
0x55: {  	_ =	shalt  }
0x56: {  	_ =	shalt  }
0x57: {  	_ =	shalt  }
0x58: {  	_ =	shalt  }
0x59: {  	_ =	shalt  }
0x5a: {  	_ =	shalt  }
0x5b: {  	_ =	shalt  }
0x5c: {  	_ =	shalt  }
0x5d: {  	_ =	shalt  }
0x5e: {  	_ =	shalt  }
0x5f: {  	_ =	shalt  }
0x60: {  	_ =	shalt  }
0x61: {  	_ =	shalt  }
0x62: {  	_ =	shalt  }
0x63: {  	_ =	shalt  }
0x64: {  	_ =	shalt  }
0x65: {  	_ =	shalt  }
0x66: {  	_ =	shalt  }
0x67: {  	_ =	shalt  }
0x68: {  	_ =	shalt  }
0x69: {  	_ =	shalt  }
0x6a: {  	_ =	shalt  }
0x6b: {  	_ =	shalt  }
0x6c: {  	_ =	shalt  }
0x6d: {  	_ =	shalt  }
0x6e: {  	_ =	shalt  }
0x6f: {  	_ =	shalt  }
0x70: {  	_ =	shalt  }
0x71: {  	_ =	shalt  }
0x72: {  	_ =	shalt  }
0x73: {  	_ =	shalt  }
0x74: {  	_ =	shalt  }
0x75: {  	_ =	shalt  }
0x76: {  	_ =	shalt  }
0x77: {  	_ =	shalt  }
0x78: {  	_ =	shalt  }
0x79: {  	_ =	shalt  }
0x7a: {  	_ =	shalt  }
0x7b: {  	_ =	shalt  }
0x7c: {  	_ =	shalt  }
0x7d: {  	_ =	shalt  }
0x7e: {  	_ =	shalt  }
0x7f: {  	_ =	shalt  }
0x80: {  	_ =	shalt  }
0x81: {  	_ =	shalt  }
0x82: {  	_ =	shalt  }
0x83: {  	_ =	shalt  }
0x84: {  	_ =	shalt  }
0x85: {  	_ =	shalt  }
0x86: {  	_ =	shalt  }
0x87: {  	_ =	shalt  }
.Lfunc_end0:
.L_simem_size_0:
called_computation_lowered:
.L_overlay_start_0:
0x88: {  	s2 =	sld [smem:$0x3FD9]  }
0x89: {  	s3 =	sld [smem:$0x3FFE];
	_ =	sdelay $0x1  }
0x8a: {  	s1 =	srdreg.scid  }
0x8b: {  	s0 =	sand.u32 $0x1, s1  }
0x8c: {  	s17 =	sshll.u32 s0, $0xA;
	s2 =	sadd.s32 s3, s2  }
0x8d: {  	s2 =	sadd.s32 s2, s17  }
0x8e: {  	[smem:$0x3FC3] =	sst s2  }
0x8f: {  	_ = 	snop  }
0x90: {  	s2 =	sld [smem:$0x3FC9]  }
0x91: {  	s18 =	sld [smem:$0x3FD0];
	(tm) =	ssettm $0x1  }
0x92: {  	s4 =	sld [smem:$0x3FFB];
	_ =	sdelay $0x3  }
0x93: {  	_ =	strace s4  }
0x94: {  	s4 =	sld [smem:$0x3FFC];
	_ =	sdelay $0x3  }
0x95: {  	_ =	strace s4  }
0x96: {  	s4 =	sld [smem:$0x3FFD];
	_ =	sdelay $0x3  }
0x97: {  	_ =	strace s4  }
0x98: {  	_ =	strace $0x8FFFFFFF  }
0x99: {  	s19 =	sld [smem:$0x3FDB];
	_ =	sdelay $0x1  }
0x9a: {  	s5 =	simm.s32 $_scs_section_size  }
0x9b: {  	s6 =	simm.s32 $_size__tile_overlayer_lowered;
	s7 =	simm.s32 $_tile_overlayer_lowered  }
0x9c: {  	s22 =	simm.s32 $0x1BFF;
	s21 =	sshll.u32 s7, $0x1;
	s4 =	sadd.s32 s5, s19  }
0x9d: {  	s8 =	simm.s32 $0x0;
	s20 =	sshll.u32 s6, $0x1;
	s6 =	sadd.s32 s21, s4  }
0x9e: {  	[timem:s8], [sflag:s22] =	dma.local [hbm:s6], s20  }
0x9f: {  	_ =	swait.ge [sflag:s22], s20  }
0xa0: {  	s5 =	ssub.s32 $0x0, s20;
	[sflag:s22] =	ssyncset.done $0x0  }
0xa1: {  	[sflag:s22] =	ssyncadd.s32 s5;
	_ =	sdelay $0x1  }
0xa2: {  	s23 =	simm.s32 $0x1B8B  }
0xa3: {  	_ =	swait.ge [sflag:s23], $0x1  }
0xa4: {  	[sflag:s23] =	ssyncset.done $0x0  }
0xa5: {  	s25 =	simm.s32 $0x1B8E;
	s24 =	sld [smem:$0x3FFE];
	[sflag:s23] =	ssyncadd.s32 $0xFFFFFFFF  }
0xa6: {  	s26 =	simm.s32 $execute0_lowered;
	[smem:$0x3FD2] =	sst s25  }
0xa7: {  	s6 =	sshll.u32 s26, $0x1;
	_ =	strace $0x80000046;
	[dreg:$0x1] =	wrdreg $0xFFFFFFFF  }
0xa8: {  	s28 =	simm.s32 $_size_execute0_lowered;
	s4 =	sadd.s32 s4, s6;
	[dreg:$0x0] =	wrdreg $0x0  }
0xa9: {  	s6 =	sshll.u32 s28, $0x1;
	[dreg:$0x2] =	wrdreg s4  }
0xaa: {  	[dreg:$0x3] =	wrdreg s6  }
0xab: {  	[dreg:$0x4] =	wrdreg $0xC0  }
0xac: {  	_ =	task [dreg:s8], $0x5FFFF  }
0xad: {  	[dreg:$0x1] =	wrdreg $0xFFFFFFFF  }
0xae: {  	[dreg:$0x0] =	wrdreg $0x60  }
0xaf: {  	[dreg:$0x2] =	wrdreg s24  }
0xb0: {  	[dreg:$0x3] =	wrdreg s18  }
0xb1: {  	[dreg:$0x4] =	wrdreg s2  }
0xb2: {  	[dreg:$0x5] =	wrdreg $0x9  }
0xb3: {  	_ =	task.clear_ibuf [dreg:s8], $0x6FFFF;
	_ =	strace $0x90000046  }
0xb4: {  	s29 =	simm.s32 $0x9;
	_ =	strace $0x80000048  }
0xb5: {  	_ =	swait.ge [sflag:s29], $0x1  }
0xb6: {  	[sflag:s29] =	ssyncadd.s32 $0xFFFFFFFF  }
0xb7: {  	_ =	strace $0x90000048  }
0xb8: {  	_ =	sfence  }
0xb9: {  	s30 =	sld [smem:$0x0];
	_ =	sdelay $0x2  }
0xba: {  	s31 =	sshll.u32 s1, $0xD;
	s1 =	sshrl.u32 s1, $0x2  }
0xbb: {  	s3 =	sand.u32 $0x4000, s31;
	s1 =	sadd.s32 s1, s30  }
0xbc: {  	s0 =	sor.u32 s3, s0;
	s1 =	sshll.u32 s1, $0x11  }
0xbd: {  	s0 =	sor.u32 s1, s0  }
0xbe: {  	s0 =	sadd.s32 $0x8F2B, s0  }
0xbf: {  	[sflag:s0] =	ssyncadd.remote.s32 $0x1  }
0xc0: {  	_ =	sfence.sel $0xFFFF  }
0xc1: {  	[dreg:$0x0] =	wrdreg $0xFFFFFFFF;
	(pc) =	sbr.abs _section_cstart, $3  }
0xc2: {  	[dreg:$0x1] =	wrdreg $0xFFFFFFFF  }
0xc3: {  	_ =	task.clear_ibuf [dreg:s8], $0x2FFFF;
	_ =	strace $0x9FFFFFFF  }
0xc4: {  	(tm) =	ssettm $0x7FFFFFFF  }
0xc5: {  	_ =	shalt  }
tec
execute0_lowered:
.L_overlay_start_1:
0x0: {  	(tag) =	ssettag $0x1  }
0x1: {  	s0 =	rddreg [dreg:$0x0]  }
0x2: {  	s2 =	rddreg [dreg:$0x2];
	s1 =	srdreg.scid;
	s4 =	simm.s32 $0x0  }
0x3: {  	s8 =	stileid.u32;
	s13 =	simm.s32 $0x1;
	s14 =	simm.s32 $0x800  }
0x4: {  	s15 =	simm.s32 $0x1000;
	s16 =	simm.s32 $0x5000;
	s17 =	simm.s32 $0x80  }
0x5: {  	s18 =	simm.s32 $0x400;
	s19 =	simm.s32 $0x7080;
	s20 =	simm.s32 $0x9100  }
0x6: {  	s21 =	simm.s32 $0xB180;
	s22 =	simm.s32 $0x0;
	s23 =	simm.s32 $0x0  }
0x7: {  	s28 =	simm.s32 $0x0;
	s1 =	sand.u32 $0x1, s1;
	[smem:$0x7FF] =	sst s4  }
0x8: {  	s6 =	sshll.u32 s8, $0xD;
	s5 =	sadd.s32 $0x1200, s0;
	s30 =	sshll.u32 s8, $0x3  }
0x9: {  	s3 =	ssub.s32 $0x2, s1;
	_ =	strace $0x80000047;
	s0 =	sadd.s32 s6, s0  }
0xa: {  	s31 =	sshll.u32 s1, $0x2;
	s1 =	sshll.u32 s1, $0x6;
	s7 =	sshrl.u32 s3, $0x1  }
0xb: {  	s6 =	sor.u32 s31, s30;
	s0 =	sadd.s32 s1, s0;
	s3 =	ssub.s32 s3, s7  }
0xc: {  	s7 =	sand.u32 $0x70, s30;
	s8 =	sadd.s32 $0x1400, s0;
	s10 =	sadd.s32 $0x1410, s0  }
0xd: {  	v0 =	vimm.f32 $0.0e+00;
	v1 =	vlaneseq.u32;
	s11 =	sadd.s32 $0x1420, s0;
	s12 =	sadd.s32 $0x1430, s0;
	s9 =	smax.u32 s3, $0x1  }
.LBB2_1:
0xe: {  	[tilespmem:s4], [sflag:$0x1] =	stream.linear.gather [hbm4b:s5+s4], $0x800, $0x38;
	[tilespmem:$0x15400] =	vst v63  }
0xf: {  	_ =	swait.ge [sflag:s13], $0x800  }
0x10: {  	[sflag:s13] =	ssyncset.done $0x0  }
0x11: {  	[sflag:s13] =	ssyncadd.s32 $0xFFFFF800  }
0x12: {  	s0 =	rddreg [dreg:$0x1]  }
0x13: {  	[tilespmem:s14], [sflag:$0x1] =	stream.linear.gather [hbm4b:s0+s4], $0x800, $0x38;
	[tilespmem:$0x15400] =	vst v63  }
0x14: {  	_ =	swait.ge [sflag:s13], $0x800  }
0x15: {  	[sflag:s13] =	ssyncset.done $0x0  }
0x16: {  	s1 =	simm.s32 $0x0;
	s0 =	simm.s32 $0x40;
	[sflag:s13] =	ssyncadd.s32 $0xFFFFF800  }
.LBB2_2:
0x17: {  	p0 =	sne.s32 s0, $0x207C0;
	[tilespmem:s1+$0x5000] =	vst v0;
	s1 =	smov.u32 s0;
	s0 =	sadd.s32 $0x40, s0  }
.Ltmp0:
0x18: {  	(pc) =	sbr.rel @p0 .LBB2_2-.Ltmp0, $2  }
0x19: {  	_ =	sdelay $0x2  }
0x1a: {  	s1 =	sshra.s32 s1, $0x2  }
0x1b: {  	[tilespmem:s1+$0x5000] =	vst v0;
	s24 =	simm.s32 $0x0  }
.LBB2_4:
0x1c: {  	s0 =	sshll.u32 s24, $0xB  }
0x1d: {  	s0 =	sadd.s32 s2, s0  }
0x1e: {  	[tilespmem:s15], [sflag:$0x1] =	stream.linear.gather [hbm4b:s0+s23], $0x4000, $0x38;
	[tilespmem:$0x15400] =	vst v63  }
0x1f: {  	_ =	swait.ge [sflag:s13], $0x4000  }
0x20: {  	s25 =	sshll.u32 s24, $0x7;
	[sflag:s13] =	ssyncset.done $0x0  }
0x21: {  	s26 =	simm.s32 $0x0;
	v2 =	vmov s25;
	[sflag:s13] =	ssyncadd.s32 $0xFFFFC000  }
.LBB2_5:
0x22: {  	v3 =	vld [tilespmem:s7+$0x0]  }
0x23: {  	v4 =	vld [tilespmem:s7+$0x800];
	_ =	sdelay $0x1  }
0x24: {  	s0 =	sor.u32 s26, s6  }
0x25: {  	s31 =	smul.u32 $0x2080, s26;
	s1 =	sand.u32 $0xF, s0  }
0x26: {  	v6 =	vmov s0;
	v5 =	vmov s1  }
0x27: {  	s30 =	simm.s32 $0x0;
	s0 =	simm.s32 $0x1100;
	v3 =	vperm.xlane v3, v5;
	v4 =	vperm.xlane v4, v5;
	v5 =	vor.u32 s31, v1  }
.LBB2_6:
0x28: {  	_ =	sdelay $0x2  }
0x29: {  	s1 =	sshll.u32 s30, $0x4  }
0x2a: {  	v7 =	vld.idx.msk [tilespmem:v2+s1+$0x0 ss:$0x1], $0xffff  }
0x2b: {  	v8 =	vld.idx.msk [tilespmem:v2+s1+$0x800 ss:$0x1], $0xffff;
	_ =	sdelay $0x4  }
0x2c: {  	v7 =	vsub.f32 v7, v3;
	v8 =	vsub.f32 v8, v4;
	_ =	sdelay $0x1  }
0x2d: {  	v9 =	vadd.f32 $3.200000000e+01, v7;
	v10 =	vadd.f32 $3.200000000e+01, v8;
	_ =	sdelay $0x1  }
0x2e: {  	v9 =	vmul.f32 $1.250000000e-01, v9;
	v10 =	vmul.f32 $1.250000000e-01, v10  }
0x2f: {  	v7 =	vand.u32 $0x7FFFFFFF, v7;
	v8 =	vand.u32 $0x7FFFFFFF, v8  }
0x30: {  	vm0 =	vlt.f32 v7, $3.200000000e+01;
	v9 =	vtrunc.f32 v9;
	v10 =	vtrunc.f32 v10  }
0x31: {  	s1 =	sadd.s32 s25, s1;
	vm1 =	vlt.f32 v8, $3.200000000e+01;
	v9 =	vcvt.f32.s32 v9;
	v10 =	vcvt.f32.s32 v10  }
0x32: {  	v7 =	vor.u32 s1, v1;
	vm0 =	vmand vm0, vm1  }
0x33: {  	vm15 =	vne.s32 v7, v6;
	v7 =	vshll.u32 v10, $0xA;
	v8 =	vshll.u32 v9, $0x7  }
0x34: {  	s3 =	simm.s32 $0x3;
	vm0 =	vmand vm15, vm0;
	v7 =	vadd.s32 v8, v7  }
0x35: {  	v9 =	vnsel vm0, $0x2000, v7;
	v7 =	vmov s3  }
0x36: {  	s3 =	simm.s32 $0x1;
	v7 =	vperm.xlane v9, v7  }
0x37: {  	v8 =	vmov s3;
	s3 =	simm.s32 $0x2  }
0x38: {  	v12 =	vld [tilespmem:s0+$0x80];
	v8 =	vperm.xlane v9, v8;
	v10 =	vmov s3;
	v11 =	vadd.s32 v5, v7  }
0x39: {  	v13 =	vperm.xlane v9, v10  }
0x3a: {  	v15 =	vld [tilespmem:s0+$0xFFFFFF80];
	v7 =	vmov s28;
	v10 =	vadd.s32 v5, v8  }
0x3b: {  	v14 =	vperm.xlane v9, v7;
	v7 =	vadd.s32 v5, v13;
	v13 =	vld [tilespmem:s0+$0x0]  }
0x3c: {  	v16 =	vld [tilespmem:s0+$0xFFFFFF00]  }
0x3d: {  	v8 =	vadd.s32 v5, v14;
	[tilespmem:v11+s16+$0x0] =	vst.idx.add.f32.msk $0xffff, v12  }
0x3e: {  	v12 =	vld [tilespmem:s0+$0x90]  }
0x3f: {  	[tilespmem:v10+s16+$0x0] =	vst.idx.add.f32.msk $0xffff, v15  }
0x40: {  	v14 =	vadd.s32 $0x10, v11;
	[tilespmem:v7+s16+$0x0] =	vst.idx.add.f32.msk $0xffff, v13  }
0x41: {  	v13 =	vld [tilespmem:s0+$0xFFFFFF90]  }
0x42: {  	v15 =	vadd.s32 $0x10, v10;
	[tilespmem:v8+s16+$0x0] =	vst.idx.add.f32.msk $0xffff, v16  }
0x43: {  	v52 =	vld [tilespmem:s0+$0x10]  }
0x44: {  	v18 =	vadd.s32 $0x10, v7;
	v17 =	vld [tilespmem:s0+$0xFFFFFF10]  }
0x45: {  	[tilespmem:v14+s16+$0x0] =	vst.idx.add.f32.msk $0xffff, v12  }
0x46: {  	v14 =	vadd.s32 $0x20, v11;
	v12 =	vld [tilespmem:s0+$0xA0]  }
0x47: {  	[tilespmem:v15+s16+$0x0] =	vst.idx.add.f32.msk $0xffff, v13  }
0x48: {  	v19 =	vadd.s32 $0x10, v8;
	v13 =	vld [tilespmem:s0+$0xFFFFFFA0]  }
0x49: {  	[tilespmem:v18+s16+$0x0] =	vst.idx.add.f32.msk $0xffff, v52  }
0x4a: {  	v15 =	vadd.s32 $0x20, v10;
	v16 =	vld [tilespmem:s0+$0x20]  }
0x4b: {  	v53 =	vadd.s32 $0x20, v7;
	[tilespmem:v14+s16+$0x0] =	vst.idx.add.f32.msk $0xffff, v12  }
0x4c: {  	v14 =	vadd.s32 $0x30, v11;
	v12 =	vld [tilespmem:s0+$0xB0]  }
0x4d: {  	[tilespmem:v19+s16+$0x0] =	vst.idx.add.f32.msk $0xffff, v17  }
0x4e: {  	v54 =	vld [tilespmem:s0+$0xFFFFFF20]  }
0x4f: {  	v55 =	vadd.s32 $0x20, v8;
	[tilespmem:v15+s16+$0x0] =	vst.idx.add.f32.msk $0xffff, v13  }
0x50: {  	[tilespmem:v53+s16+$0x0] =	vst.idx.add.f32.msk $0xffff, v16  }
0x51: {  	[tilespmem:v14+s16+$0x0] =	vst.idx.add.f32.msk $0xffff, v12  }
0x52: {  	v14 =	vadd.s32 $0x40, v11;
	v12 =	vld [tilespmem:s0+$0xC0]  }
0x53: {  	v13 =	vld [tilespmem:s0+$0xFFFFFFB0]  }
0x54: {  	v15 =	vadd.s32 $0x30, v10;
	[tilespmem:v55+s16+$0x0] =	vst.idx.add.f32.msk $0xffff, v54  }
0x55: {  	v16 =	vld [tilespmem:s0+$0x30]  }
0x56: {  	v57 =	vadd.s32 $0x30, v7;
	v56 =	vld [tilespmem:s0+$0xFFFFFF30]  }
0x57: {  	v58 =	vadd.s32 $0x30, v8;
	[tilespmem:v14+s16+$0x0] =	vst.idx.add.f32.msk $0xffff, v12  }
0x58: {  	v14 =	vadd.s32 $0x50, v11;
	v12 =	vld [tilespmem:s0+$0xD0]  }
0x59: {  	[tilespmem:v15+s16+$0x0] =	vst.idx.add.f32.msk $0xffff, v13  }
0x5a: {  	v13 =	vld [tilespmem:s0+$0xFFFFFFC0]  }
0x5b: {  	[tilespmem:v57+s16+$0x0] =	vst.idx.add.f32.msk $0xffff, v16  }
0x5c: {  	v15 =	vadd.s32 $0x40, v10;
	[tilespmem:v58+s16+$0x0] =	vst.idx.add.f32.msk $0xffff, v56  }
0x5d: {  	[tilespmem:v14+s16+$0x0] =	vst.idx.add.f32.msk $0xffff, v12  }
0x5e: {  	v14 =	vadd.s32 $0x60, v11;
	v12 =	vld [tilespmem:s0+$0xE0]  }
0x5f: {  	v16 =	vld [tilespmem:s0+$0x40]  }
0x60: {  	v59 =	vadd.s32 $0x40, v7;
	v60 =	vld [tilespmem:s0+$0xFFFFFF40]  }
0x61: {  	v61 =	vadd.s32 $0x40, v8;
	[tilespmem:v15+s16+$0x0] =	vst.idx.add.f32.msk $0xffff, v13  }
0x62: {  	v13 =	vld [tilespmem:s0+$0xFFFFFFD0]  }
0x63: {  	[tilespmem:v14+s16+$0x0] =	vst.idx.add.f32.msk $0xffff, v12;
	v14 =	vadd.s32 $0x50, v10  }
0x64: {  	v11 =	vadd.s32 $0x70, v11;
	v12 =	vld [tilespmem:s0+$0xF0]  }
0x65: {  	[tilespmem:v59+s16+$0x0] =	vst.idx.add.f32.msk $0xffff, v16  }
0x66: {  	[tilespmem:v61+s16+$0x0] =	vst.idx.add.f32.msk $0xffff, v60  }
0x67: {  	v15 =	vld [tilespmem:s0+$0x50]  }
0x68: {  	v62 =	vadd.s32 $0x50, v7;
	[tilespmem:v14+s16+$0x0] =	vst.idx.add.f32.msk $0xffff, v13  }
0x69: {  	[tilespmem:v11+s16+$0x0] =	vst.idx.add.f32.msk $0xffff, v12  }
0x6a: {  	v11 =	vld [tilespmem:s0+$0xFFFFFF50];
	v12 =	vadd.s32 $0x50, v8  }
0x6b: {  	v14 =	vadd.s32 $0x60, v10;
	v13 =	vld [tilespmem:s0+$0xFFFFFFE0];
	_ =	sdelay $0x1  }
0x6c: {  	[tilespmem:v62+s16+$0x0] =	vst.idx.add.f32.msk $0xffff, v15  }
0x6d: {  	v15 =	vld [tilespmem:s0+$0x60]  }
0x6e: {  	v63 =	vadd.s32 $0x60, v7;
	[tilespmem:v12+s16+$0x0] =	vst.idx.add.f32.msk $0xffff, v11  }
0x6f: {  	[tilespmem:v14+s16+$0x0] =	vst.idx.add.f32.msk $0xffff, v13  }
0x70: {  	v14 =	vadd.s32 $0x60, v8;
	v12 =	vld [tilespmem:s0+$0xFFFFFF60];
	_ =	sdelay $0x2  }
0x71: {  	s31 =	simm.s32 $0x4;
	[tilespmem:v63+s16+$0x0] =	vst.idx.add.f32.msk $0xffff, v15  }
0x72: {  	s29 =	smov.u32 s0;
	s1 =	simm.s32 $0x7;
	s3 =	simm.s32 $0x8;
	v13 =	vld [tilespmem:s0+$0xFFFFFFF0]  }
.LBB2_7:
0x73: {  	p0 =	slt.u32 s3, $0xC;
	v11 =	vmov s1;
	[tilespmem:v14+s16+$0x0] =	vst.idx.add.f32.msk $0xffff, v12  }
0x74: {  	s1 =	sadd.s32 $0x1, s31;
	v14 =	vperm.xlane v9, v11;
	v12 =	vld [tilespmem:s29+$0x70]  }
0x75: {  	v16 =	vadd.s32 $0x70, v10;
	v15 =	vmov s1;
	s1 =	sadd.s32 $0x2, s31;
	v11 =	vld [tilespmem:s29+$0xFFFFFF70];
	s29 =	sadd.s32 $0x200, s29  }
0x76: {  	v10 =	vperm.xlane v9, v15;
	v15 =	vmov s1;
	v14 =	vadd.s32 v5, v14;
	v17 =	vld [tilespmem:s29+$0x80]  }
0x77: {  	v18 =	vmov s31;
	s31 =	smov.u32 s3;
	v15 =	vperm.xlane v9, v15;
	v19 =	vld [tilespmem:s29+$0xFFFFFF00]  }
0x78: {  	v18 =	vperm.xlane v9, v18;
	v10 =	vadd.s32 v5, v10;
	v20 =	vld [tilespmem:s29+$0xFFFFFF80]  }
0x79: {  	v15 =	vadd.s32 v5, v15;
	v21 =	vld [tilespmem:s29+$0x0]  }
0x7a: {  	v18 =	vadd.s32 v5, v18;
	[tilespmem:v16+s16+$0x0] =	vst.idx.add.f32.msk $0xffff, v13  }
0x7b: {  	[tilespmem:v14+s16+$0x0] =	vst.idx.add.f32.msk $0xffff, v17  }
0x7c: {  	v16 =	vadd.s32 $0x10, v14;
	v13 =	vld [tilespmem:s29+$0x90]  }
0x7d: {  	[tilespmem:v10+s16+$0x0] =	vst.idx.add.f32.msk $0xffff, v20  }
0x7e: {  	[tilespmem:v15+s16+$0x0] =	vst.idx.add.f32.msk $0xffff, v21  }
0x7f: {  	[tilespmem:v18+s16+$0x0] =	vst.idx.add.f32.msk $0xffff, v19  }
0x80: {  	v19 =	vadd.s32 $0x10, v10;
	v17 =	vld [tilespmem:s29+$0xFFFFFF90]  }
0x81: {  	[tilespmem:v16+s16+$0x0] =	vst.idx.add.f32.msk $0xffff, v13  }
0x82: {  	v16 =	vadd.s32 $0x20, v14;
	v13 =	vld [tilespmem:s29+$0xA0]  }
0x83: {  	v20 =	vld [tilespmem:s29+$0x10]  }
0x84: {  	v22 =	vadd.s32 $0x10, v15;
	v21 =	vld [tilespmem:s29+$0xFFFFFF10]  }
0x85: {  	v23 =	vadd.s32 $0x10, v18;
	[tilespmem:v19+s16+$0x0] =	vst.idx.add.f32.msk $0xffff, v17  }
0x86: {  	v17 =	vld [tilespmem:s29+$0xFFFFFFA0]  }
0x87: {  	[tilespmem:v16+s16+$0x0] =	vst.idx.add.f32.msk $0xffff, v13  }
0x88: {  	v16 =	vadd.s32 $0x30, v14;
	v13 =	vld [tilespmem:s29+$0xB0]  }
0x89: {  	[tilespmem:v22+s16+$0x0] =	vst.idx.add.f32.msk $0xffff, v20  }
0x8a: {  	v19 =	vadd.s32 $0x20, v10;
	[tilespmem:v23+s16+$0x0] =	vst.idx.add.f32.msk $0xffff, v21  }
0x8b: {  	v21 =	vadd.s32 $0x20, v15;
	v20 =	vld [tilespmem:s29+$0x20]  }
0x8c: {  	v23 =	vadd.s32 $0x20, v18;
	v22 =	vld [tilespmem:s29+$0xFFFFFF20]  }
0x8d: {  	[tilespmem:v16+s16+$0x0] =	vst.idx.add.f32.msk $0xffff, v13  }
0x8e: {  	v16 =	vadd.s32 $0x40, v14;
	v13 =	vld [tilespmem:s29+$0xC0]  }
0x8f: {  	[tilespmem:v19+s16+$0x0] =	vst.idx.add.f32.msk $0xffff, v17  }
0x90: {  	[tilespmem:v21+s16+$0x0] =	vst.idx.add.f32.msk $0xffff, v20  }
0x91: {  	[tilespmem:v23+s16+$0x0] =	vst.idx.add.f32.msk $0xffff, v22  }
0x92: {  	v19 =	vadd.s32 $0x30, v10;
	v17 =	vld [tilespmem:s29+$0xFFFFFFB0]  }
0x93: {  	[tilespmem:v16+s16+$0x0] =	vst.idx.add.f32.msk $0xffff, v13  }
0x94: {  	v16 =	vadd.s32 $0x50, v14;
	v13 =	vld [tilespmem:s29+$0xD0]  }
0x95: {  	v20 =	vld [tilespmem:s29+$0x30]  }
0x96: {  	v22 =	vadd.s32 $0x30, v15;
	v21 =	vld [tilespmem:s29+$0xFFFFFF30]  }
0x97: {  	v23 =	vadd.s32 $0x30, v18;
	[tilespmem:v19+s16+$0x0] =	vst.idx.add.f32.msk $0xffff, v17  }
0x98: {  	v17 =	vld [tilespmem:s29+$0xFFFFFFC0]  }
0x99: {  	[tilespmem:v16+s16+$0x0] =	vst.idx.add.f32.msk $0xffff, v13  }
0x9a: {  	v16 =	vadd.s32 $0x60, v14;
	v13 =	vld [tilespmem:s29+$0xE0]  }
0x9b: {  	[tilespmem:v22+s16+$0x0] =	vst.idx.add.f32.msk $0xffff, v20  }
0x9c: {  	v19 =	vadd.s32 $0x40, v10;
	[tilespmem:v23+s16+$0x0] =	vst.idx.add.f32.msk $0xffff, v21  }
0x9d: {  	v21 =	vadd.s32 $0x40, v15;
	v20 =	vld [tilespmem:s29+$0x40]  }
0x9e: {  	v23 =	vadd.s32 $0x40, v18;
	v22 =	vld [tilespmem:s29+$0xFFFFFF40]  }
0x9f: {  	[tilespmem:v16+s16+$0x0] =	vst.idx.add.f32.msk $0xffff, v13  }
0xa0: {  	v14 =	vadd.s32 $0x70, v14;
	v13 =	vld [tilespmem:s29+$0xF0]  }
0xa1: {  	[tilespmem:v19+s16+$0x0] =	vst.idx.add.f32.msk $0xffff, v17  }
0xa2: {  	[tilespmem:v21+s16+$0x0] =	vst.idx.add.f32.msk $0xffff, v20  }
0xa3: {  	v16 =	vadd.s32 $0x70, v7;
	v7 =	vmov v15;
	[tilespmem:v23+s16+$0x0] =	vst.idx.add.f32.msk $0xffff, v22  }
0xa4: {  	v17 =	vadd.s32 $0x50, v10;
	v15 =	vld [tilespmem:s29+$0xFFFFFFD0]  }
0xa5: {  	[tilespmem:v14+s16+$0x0] =	vst.idx.add.f32.msk $0xffff, v13  }
0xa6: {  	v14 =	vadd.s32 $0x50, v7;
	v13 =	vld [tilespmem:s29+$0x50]  }
0xa7: {  	v20 =	vadd.s32 $0x50, v18;
	v19 =	vld [tilespmem:s29+$0xFFFFFF50]  }
0xa8: {  	[tilespmem:v16+s16+$0x0] =	vst.idx.add.f32.msk $0xffff, v12  }
0xa9: {  	[tilespmem:v17+s16+$0x0] =	vst.idx.add.f32.msk $0xffff, v15  }
0xaa: {  	v16 =	vadd.s32 $0x60, v10;
	v15 =	vld [tilespmem:s29+$0xFFFFFFE0]  }
0xab: {  	[tilespmem:v14+s16+$0x0] =	vst.idx.add.f32.msk $0xffff, v13  }
0xac: {  	v17 =	vadd.s32 $0x70, v8;
	v8 =	vmov v18;
	[tilespmem:v20+s16+$0x0] =	vst.idx.add.f32.msk $0xffff, v19  }
0xad: {  	v19 =	vadd.s32 $0x60, v7;
	v18 =	vld [tilespmem:s29+$0x60]  }
.Ltmp1:
0xae: {  	v14 =	vadd.s32 $0x60, v8;
	v12 =	vld [tilespmem:s29+$0xFFFFFF60];
	(pc) =	sbr.rel @p0 .LBB2_7-.Ltmp1, $4  }
0xaf: {  	[tilespmem:v16+s16+$0x0] =	vst.idx.add.f32.msk $0xffff, v15  }
0xb0: {  	v13 =	vld [tilespmem:s29+$0xFFFFFFF0]  }
0xb1: {  	[tilespmem:v17+s16+$0x0] =	vst.idx.add.f32.msk $0xffff, v11  }
0xb2: {  	s3 =	sadd.s32 $0x4, s3;
	s1 =	sadd.s32 $0x3, s31;
	[tilespmem:v19+s16+$0x0] =	vst.idx.add.f32.msk $0xffff, v18  }
0xb3: {  	_ =	sdelay $0x3  }
0xb4: {  	[tilespmem:v14+s16+$0x0] =	vst.idx.add.f32.msk $0xffff, v12  }
0xb5: {  	v11 =	vmov s1;
	s3 =	sadd.s32 $0x1, s31;
	v12 =	vld [tilespmem:s29+$0x70];
	v10 =	vadd.s32 $0x70, v10  }
0xb6: {  	v18 =	vmov s31;
	v11 =	vperm.xlane v9, v11;
	v62 =	vmov s3;
	v15 =	vld [tilespmem:s29+$0xFFFFFF70];
	s3 =	sadd.s32 $0x200, s29  }
0xb7: {  	s1 =	sadd.s32 $0x2, s31;
	v7 =	vadd.s32 $0x70, v7;
	v63 =	vperm.xlane v9, v18;
	v17 =	vld [tilespmem:s3+$0x80]  }
0xb8: {  	v16 =	vmov s1;
	v19 =	vld [tilespmem:s3+$0xFFFFFF00];
	v11 =	vadd.s32 v5, v11  }
0xb9: {  	v14 =	vperm.xlane v9, v62;
	v16 =	vperm.xlane v9, v16;
	v24 =	vld [tilespmem:s3+$0xFFFFFF80];
	v9 =	vadd.s32 v5, v63  }
0xba: {  	v20 =	vld [tilespmem:s3+$0x0]  }
0xbb: {  	v14 =	vadd.s32 v5, v14;
	[tilespmem:v10+s16+$0x0] =	vst.idx.add.f32.msk $0xffff, v13  }
0xbc: {  	[tilespmem:v7+s16+$0x0] =	vst.idx.add.f32.msk $0xffff, v12  }
0xbd: {  	v16 =	vadd.s32 v5, v16;
	[tilespmem:v11+s16+$0x0] =	vst.idx.add.f32.msk $0xffff, v17  }
0xbe: {  	[tilespmem:v9+s16+$0x0] =	vst.idx.add.f32.msk $0xffff, v19  }
0xbf: {  	v25 =	vld [tilespmem:s3+$0x90]  }
0xc0: {  	v26 =	vadd.s32 $0x10, v11;
	[tilespmem:v14+s16+$0x0] =	vst.idx.add.f32.msk $0xffff, v24  }
0xc1: {  	v22 =	vadd.s32 $0x10, v9;
	v31 =	vld [tilespmem:s3+$0xFFFFFF10]  }
0xc2: {  	[tilespmem:v16+s16+$0x0] =	vst.idx.add.f32.msk $0xffff, v20  }
0xc3: {  	v28 =	vadd.s32 $0x10, v14;
	v27 =	vld [tilespmem:s3+$0xFFFFFF90]  }
0xc4: {  	v30 =	vld [tilespmem:s3+$0x10]  }
0xc5: {  	v21 =	vadd.s32 $0x10, v16;
	[tilespmem:v26+s16+$0x0] =	vst.idx.add.f32.msk $0xffff, v25  }
0xc6: {  	[tilespmem:v22+s16+$0x0] =	vst.idx.add.f32.msk $0xffff, v31  }
0xc7: {  	v10 =	vld [tilespmem:s3+$0xA0]  }
0xc8: {  	v29 =	vadd.s32 $0x20, v11;
	[tilespmem:v28+s16+$0x0] =	vst.idx.add.f32.msk $0xffff, v27  }
0xc9: {  	v36 =	vadd.s32 $0x20, v9;
	v35 =	vld [tilespmem:s3+$0xFFFFFF20]  }
0xca: {  	[tilespmem:v21+s16+$0x0] =	vst.idx.add.f32.msk $0xffff, v30  }
0xcb: {  	v33 =	vadd.s32 $0x20, v14;
	v17 =	vld [tilespmem:s3+$0xFFFFFFA0]  }
0xcc: {  	v19 =	vld [tilespmem:s3+$0x20]  }
0xcd: {  	v34 =	vadd.s32 $0x20, v16;
	[tilespmem:v29+s16+$0x0] =	vst.idx.add.f32.msk $0xffff, v10  }
0xce: {  	[tilespmem:v36+s16+$0x0] =	vst.idx.add.f32.msk $0xffff, v35  }
0xcf: {  	v10 =	vld [tilespmem:s3+$0xB0]  }
0xd0: {  	v32 =	vadd.s32 $0x30, v11;
	[tilespmem:v33+s16+$0x0] =	vst.idx.add.f32.msk $0xffff, v17  }
0xd1: {  	v42 =	vadd.s32 $0x30, v9;
	v40 =	vld [tilespmem:s3+$0xFFFFFF30]  }
0xd2: {  	[tilespmem:v34+s16+$0x0] =	vst.idx.add.f32.msk $0xffff, v19  }
0xd3: {  	v38 =	vadd.s32 $0x30, v14;
	v17 =	vld [tilespmem:s3+$0xFFFFFFB0]  }
0xd4: {  	v19 =	vld [tilespmem:s3+$0x30]  }
0xd5: {  	v41 =	vadd.s32 $0x30, v16;
	[tilespmem:v32+s16+$0x0] =	vst.idx.add.f32.msk $0xffff, v10  }
0xd6: {  	[tilespmem:v42+s16+$0x0] =	vst.idx.add.f32.msk $0xffff, v40  }
0xd7: {  	v10 =	vld [tilespmem:s3+$0xC0]  }
0xd8: {  	v37 =	vadd.s32 $0x40, v11;
	[tilespmem:v38+s16+$0x0] =	vst.idx.add.f32.msk $0xffff, v17  }
0xd9: {  	v46 =	vadd.s32 $0x40, v9;
	v17 =	vld [tilespmem:s3+$0xFFFFFF40]  }
0xda: {  	[tilespmem:v41+s16+$0x0] =	vst.idx.add.f32.msk $0xffff, v19  }
0xdb: {  	v44 =	vadd.s32 $0x40, v14;
	v18 =	vld [tilespmem:s3+$0xFFFFFFC0]  }
0xdc: {  	v21 =	vld [tilespmem:s3+$0x40]  }
0xdd: {  	v45 =	vadd.s32 $0x40, v16;
	[tilespmem:v37+s16+$0x0] =	vst.idx.add.f32.msk $0xffff, v10  }
0xde: {  	[tilespmem:v46+s16+$0x0] =	vst.idx.add.f32.msk $0xffff, v17  }
0xdf: {  	v10 =	vld [tilespmem:s3+$0xD0]  }
0xe0: {  	v39 =	vadd.s32 $0x50, v11;
	[tilespmem:v44+s16+$0x0] =	vst.idx.add.f32.msk $0xffff, v18  }
0xe1: {  	v52 =	vadd.s32 $0x50, v9;
	v51 =	vld [tilespmem:s3+$0xFFFFFF50]  }
0xe2: {  	[tilespmem:v45+s16+$0x0] =	vst.idx.add.f32.msk $0xffff, v21  }
0xe3: {  	v48 =	vadd.s32 $0x50, v14;
	v47 =	vld [tilespmem:s3+$0xFFFFFFD0]  }
0xe4: {  	v49 =	vld [tilespmem:s3+$0x50]  }
0xe5: {  	v50 =	vadd.s32 $0x50, v16;
	[tilespmem:v39+s16+$0x0] =	vst.idx.add.f32.msk $0xffff, v10  }
0xe6: {  	[tilespmem:v52+s16+$0x0] =	vst.idx.add.f32.msk $0xffff, v51  }
0xe7: {  	v10 =	vld [tilespmem:s3+$0xE0]  }
0xe8: {  	v43 =	vadd.s32 $0x60, v11;
	[tilespmem:v48+s16+$0x0] =	vst.idx.add.f32.msk $0xffff, v47  }
0xe9: {  	v58 =	vadd.s32 $0x60, v9;
	v19 =	vld [tilespmem:s3+$0xFFFFFF60]  }
0xea: {  	[tilespmem:v50+s16+$0x0] =	vst.idx.add.f32.msk $0xffff, v49  }
0xeb: {  	v56 =	vadd.s32 $0x60, v14;
	v55 =	vld [tilespmem:s3+$0xFFFFFFE0]  }
0xec: {  	v57 =	vadd.s32 $0x60, v16;
	v17 =	vld [tilespmem:s3+$0x60]  }
0xed: {  	[tilespmem:v43+s16+$0x0] =	vst.idx.add.f32.msk $0xffff, v10  }
0xee: {  	[tilespmem:v58+s16+$0x0] =	vst.idx.add.f32.msk $0xffff, v19  }
0xef: {  	v53 =	vld [tilespmem:s3+$0xF0]  }
0xf0: {  	v8 =	vadd.s32 $0x70, v8;
	[tilespmem:v56+s16+$0x0] =	vst.idx.add.f32.msk $0xffff, v55  }
0xf1: {  	v54 =	vadd.s32 $0x70, v11;
	[tilespmem:v57+s16+$0x0] =	vst.idx.add.f32.msk $0xffff, v17  }
0xf2: {  	v9 =	vadd.s32 $0x70, v9;
	v63 =	vld [tilespmem:s3+$0xFFFFFF70]  }
0xf3: {  	s30 =	sadd.s32 $0x1, s30;
	v60 =	vadd.s32 $0x70, v14;
	v59 =	vld [tilespmem:s3+$0xFFFFFFF0]  }
0xf4: {  	p0 =	sne.s32 s30, $0x8;
	v62 =	vadd.s32 $0x70, v16;
	v61 =	vld [tilespmem:s3+$0x70]  }
.Ltmp2:
0xf5: {  	[tilespmem:v8+s16+$0x0] =	vst.idx.add.f32.msk $0xffff, v15;
	(pc) =	sbr.rel @p0 .LBB2_6-.Ltmp2, $4  }
0xf6: {  	[tilespmem:v54+s16+$0x0] =	vst.idx.add.f32.msk $0xffff, v53  }
0xf7: {  	[tilespmem:v9+s16+$0x0] =	vst.idx.add.f32.msk $0xffff, v63  }
0xf8: {  	[tilespmem:v60+s16+$0x0] =	vst.idx.add.f32.msk $0xffff, v59  }
0xf9: {  	s0 =	sadd.s32 $0x800, s0;
	[tilespmem:v62+s16+$0x0] =	vst.idx.add.f32.msk $0xffff, v61  }
0xfa: {  	s26 =	sadd.s32 $0x1, s26  }
0xfb: {  	p0 =	sne.s32 s26, $0x4  }
.Ltmp3:
0xfc: {  	_ = 	snop;
	(pc) =	sbr.rel @p0 .LBB2_5-.Ltmp3, $1  }
0xfd: {  	_ =	sdelay $0x3  }
0xfe: {  	s24 =	sadd.s32 $0x1, s24  }
0xff: {  	p0 =	sne.s32 s24, $0x10  }
.Ltmp4:
0x100: {  	_ = 	snop;
	(pc) =	sbr.rel @p0 .LBB2_4-.Ltmp4, $1  }
0x101: {  	_ =	sdelay $0x3  }
0x102: {  	[hbm4b:s8+s17] =	stream.strided.scatter [tilespmem:s16], [sflag:$0x1], $0x2000, s18, s17, $0x38;
	[tilespmem:$0x15400] =	vst v63  }
0x103: {  	_ =	swait.ge [sflag:s13], $0x2000  }
0x104: {  	[sflag:s13] =	ssyncset.done $0x0  }
0x105: {  	[sflag:s13] =	ssyncadd.s32 $0xFFFFE000  }
0x106: {  	[hbm4b:s10+s17] =	stream.strided.scatter [tilespmem:s19], [sflag:$0x1], $0x2000, s18, s17, $0x38;
	[tilespmem:$0x15400] =	vst v63  }
0x107: {  	_ =	swait.ge [sflag:s13], $0x2000  }
0x108: {  	[sflag:s13] =	ssyncset.done $0x0  }
0x109: {  	[sflag:s13] =	ssyncadd.s32 $0xFFFFE000  }
0x10a: {  	[hbm4b:s11+s17] =	stream.strided.scatter [tilespmem:s20], [sflag:$0x1], $0x2000, s18, s17, $0x38;
	[tilespmem:$0x15400] =	vst v63  }
0x10b: {  	s22 =	sadd.s32 $0x1, s22;
	_ =	swait.ge [sflag:s13], $0x2000  }
0x10c: {  	p0 =	sne.s32 s22, s9;
	[sflag:s13] =	ssyncset.done $0x0  }
.Ltmp5:
0x10d: {  	[sflag:s13] =	ssyncadd.s32 $0xFFFFE000;
	(pc) =	sbr.rel @p0 .LBB2_1-.Ltmp5, $4  }
0x10e: {  	[hbm4b:s12+s17] =	stream.strided.scatter [tilespmem:s21], [sflag:$0x1], $0x2000, s18, s17, $0x38;
	[tilespmem:$0x15400] =	vst v63  }
0x10f: {  	_ =	swait.ge [sflag:s13], $0x2000  }
0x110: {  	[sflag:s13] =	ssyncset.done $0x0  }
0x111: {  	[sflag:s13] =	ssyncadd.s32 $0xFFFFE000  }
0x112: {  	_ =	sfence.sel $0x180000  }
0x113: {  	[bflag:$0x0] =	sbarrier.arrive $0xFFFF  }
0x114: {  	_ =	strace $0x90000047  }
0x115: {  	s0 =	stileid.u32;
	[bflag:$0x2] =	sbarrier.arrive $0xFFFF  }
0x116: {  	p0 =	sne.s32 s0, $0x0;
	s0 =	rddreg [dreg:$0x3]  }
0x117: {  	s0 =	sadd.s32 @!p0 $0x100000, s0  }
0x118: {  	[sflag:s0] =	ssyncadd.tile.s32 @!p0 $0x1;
	_ =	shalt  }
.Lfunc_end2:
_tile_overlayer_lowered:
.L_overlay_start_2:
0x119: {  	(tag) =	ssettag $0x2  }
0x11a: {  	s0 =	rddreg [dreg:$0x0];
	s2 =	stileid.u32  }
0x11b: {  	s1 =	rddreg [dreg:$0x1];
	p0 =	sne.s32 s2, $0x0  }
0x11c: {  	s3 =	rddreg [dreg:$0x2];
	[bflag:$0x3] =	sbarrier.arrive $0xFFFF;
	s2 =	simm.s32 @!p0 $0x1C01  }
0x11d: {  	[timem:s3], [sflag:s2] =	dma.local @!p0 [hbm:s0], s1  }
0x11e: {  	s0 =	simm.s32 @!p0 $0x1  }
0x11f: {  	_ =	swait.ge @!p0 [sflag:s0], s1  }
0x120: {  	s1 =	ssub.s32 @!p0 $0x0, s1;
	[sflag:s0] =	ssyncset.done @!p0 $0x0  }
0x121: {  	[sflag:s0] =	ssyncadd.s32 @!p0 s1  }
0x122: {  	[bflag:$0x3] =	sbarrier.arrive $0xFFFF  }
0x123: {  	_ =	shalt  }

</sc_bundles>
